<compile_context>
chip_gen: v7x
topology: tpu7x:2x2x1
jax: 0.10.2.dev20260603
libtpu: 0.0.44.dev20260713+nightly
codegen_flags: <defaults>
</compile_context>

<pallas_src>
import functools

import jax
import jax.numpy as jnp
from jax import lax
from jax.experimental import pallas as pl
from jax.experimental.pallas import tpu as pltpu
from jax.experimental.pallas import tpu_sc as plsc


@functools.lru_cache(maxsize=None)
def _make_sc_call(B, D, G):
    info = plsc.get_sparse_core_info()
    NC, NS, L = info.num_cores, info.num_subcores, info.num_lanes
    NW = NC * NS
    BW = B // NW
    CR = 2048
    NCHUNK = BW // CR
    GROUPS = CR // L
    assert B % (NW * CR) == 0 and CR % L == 0 and NCHUNK % 2 == 0

    thr = [4.0 * j * j / (G * G) for j in range(1, G)]

    mesh = plsc.VectorSubcoreMesh(core_axis_name="c", subcore_axis_name="s")

    @functools.partial(
        pl.kernel,
        mesh=mesh,
        out_type=jax.ShapeDtypeStruct((B,), jnp.float32),
        compiler_params=pltpu.CompilerParams(needs_layout_passes=False),
        scratch_types=[
            pltpu.VMEM((4, CR), jnp.float32),
            pltpu.VMEM((4, CR), jnp.float32),
            pltpu.VMEM((4, CR), jnp.float32),
            pltpu.VMEM((4, CR), jnp.float32),
            pltpu.VMEM((G, CR), jnp.float32),
            pltpu.VMEM((G, CR), jnp.float32),
            pltpu.VMEM((CR,), jnp.float32),
            pltpu.VMEM((CR,), jnp.float32),
            pltpu.SemaphoreType.DMA,
            pltpu.SemaphoreType.DMA,
            pltpu.SemaphoreType.DMA,
            pltpu.SemaphoreType.DMA,
        ],
    )
    def sc_kernel(z1_hbm, z2_hbm, dg_hbm, out_hbm,
                  z1v0, z1v1, z2v0, z2v1, dgv0, dgv1, outv0, outv1,
                  semi0, semi1, semo0, semo1):
        z1s, z2s, dgs, outs = [z1v0, z1v1], [z2v0, z2v1], [dgv0, dgv1], [outv0, outv1]
        semis, semos = [semi0, semi1], [semo0, semo1]
        wid = lax.axis_index("s") * NC + lax.axis_index("c")
        row0 = wid * BW
        lanes = lax.iota(jnp.int32, L)

        def start_in(ci, b):
            base = row0 + ci * CR
            pltpu.async_copy(
                z1_hbm.at[pl.ds(0, 4), pl.ds(base, CR)], z1s[b], semis[b])
            pltpu.async_copy(
                z2_hbm.at[pl.ds(0, 4), pl.ds(base, CR)], z2s[b], semis[b])
            pltpu.async_copy(
                dg_hbm.at[:, pl.ds(base, CR)], dgs[b], semis[b])

        def wait_in(b):
            pltpu.make_async_copy(
                z1_hbm.at[pl.ds(0, 4), pl.ds(0, CR)], z1s[b], semis[b]
            ).wait()
            pltpu.make_async_copy(
                z2_hbm.at[pl.ds(0, 4), pl.ds(0, CR)], z2s[b], semis[b]
            ).wait()
            pltpu.make_async_copy(
                dg_hbm.at[:, pl.ds(0, CR)], dgs[b], semis[b]
            ).wait()

        def compute(b):
            z1b, z2b, dgb, outb = z1s[b], z2s[b], dgs[b], outs[b]

            @plsc.parallel_loop(0, GROUPS, 1, unroll=4)
            def _(g):
                off = g * L
                a0 = z1b[0, pl.ds(off, L)]
                a1 = z1b[1, pl.ds(off, L)]
                a2 = z1b[2, pl.ds(off, L)]
                a3 = z1b[3, pl.ds(off, L)]
                b0 = z2b[0, pl.ds(off, L)]
                b1 = z2b[1, pl.ds(off, L)]
                b2 = z2b[2, pl.ds(off, L)]
                b3 = z2b[3, pl.ds(off, L)]
                dx = (b0 + b2) - (a0 + a2)
                dy = (b1 + b3) - (a1 + a3)
                r2 = dx * dx + dy * dy
                did = (r2 >= thr[0]).astype(jnp.int32)
                for t in thr[1:]:
                    did = did + (r2 >= t).astype(jnp.int32)
                outb[pl.ds(off, L)] = plsc.load_gather(dgb, [did, lanes + off])

        def start_out(ci, b):
            base = row0 + ci * CR
            pltpu.async_copy(outs[b], out_hbm.at[pl.ds(base, CR)], semos[b])

        def wait_out(b):
            pltpu.make_async_copy(
                outs[b], out_hbm.at[pl.ds(0, CR)], semos[b]
            ).wait()

        start_in(0, 0)

        def loop_body(ci2, carry):
            for b in range(2):
                ci = ci2 * 2 + b

                @pl.when(ci + 1 < NCHUNK)
                def _():
                    start_in(ci + 1, (b + 1) % 2)

                wait_in(b)

                @pl.when(ci >= 2)
                def _():
                    wait_out(b)

                compute(b)
                start_out(ci, b)
            return carry

        lax.fori_loop(0, NCHUNK // 2, loop_body, 0)
        wait_out(0)
        wait_out(1)

    return sc_kernel


def kernel(z_1, z_2, dist_grade):
    B, D = z_1.shape
    G = dist_grade.shape[1]
    call = _make_sc_call(B, D, G)
    return call(z_1.T, z_2.T, dist_grade.T)

# --- scband reference (transcript-rebuilt; emitter-appended) ---
"""Pipeline reference for scband-yolovaluation-module-33646773797497 (READ-ONLY COPY).

The authoritative reference and input builder live on the scoring server;
editing this copy changes nothing except your own understanding.
"""

import jax, jax.numpy as jnp
import numpy as np

B = 2097152
D = 11
NUM_GRADES = 8

def setup_inputs(seed: int = 0) -> dict:
    key = jax.random.key(seed)
    k1, k2, k3 = jax.random.split(key, 3)
    z_1 = jax.random.uniform(k1, (B, D), dtype=jnp.float32)
    z_2 = jax.random.uniform(k2, (B, D), dtype=jnp.float32)
    dist_grade = jax.random.uniform(k3, (B, NUM_GRADES), dtype=jnp.float32)
    return {"z_1": z_1, "z_2": z_2, "dist_grade": dist_grade}

def _to_center(z):
    x = (z[:, 0] + z[:, 2]) / 2
    y = (z[:, 1] + z[:, 3]) / 2
    return jnp.stack((x, y))

def reference(z_1, z_2, dist_grade):
    # YOLORhoValuationFunction.forward (distance-grade histogram binning)
    c_1 = _to_center(z_1)
    c_2 = _to_center(z_2)
    dir_vec = c_2 - c_1
    dx = dir_vec[0]
    dy = -dir_vec[1]
    rho = jnp.sqrt(dx ** 2 + dy ** 2)
    dist_grade_num = dist_grade.shape[1]
    grade_weight = 1.0 / dist_grade_num
    # dist_id[i] incremented for each threshold grade_weight*i (i=1..num-1) that rho passes
    thresholds = grade_weight * jnp.arange(1, dist_grade_num, dtype=jnp.float32)
    dist_id = jnp.sum(rho[:, None] >= thresholds[None, :], axis=1).astype(jnp.int32)
    # one-hot scatter: dist_pred[i, dist_id[i]] = 1
    dist_pred = jnp.zeros(dist_grade.shape, dtype=dist_grade.dtype).at[
        jnp.arange(dist_grade.shape[0]), dist_id
    ].set(1.0)
    return (dist_grade * dist_pred).sum(axis=1)

if __name__ == "__main__":
    import jax
    _d = setup_inputs()
    print(jax.jit(kernel)(*tuple(_d.values())))

</pallas_src>

<mosaic_0001>
#map = affine_map<(d0, d1) -> (0, 0)>
#map1 = affine_map<(d0, d1) -> (0)>
module attributes {stable_mosaic.version = 14 : i64} {
  func.func @sc_kernel(%arg0: i32, %arg1: i32, %arg2: memref<11x2097152xf32, #tpu.memory_space<hbm>>, %arg3: memref<11x2097152xf32, #tpu.memory_space<hbm>>, %arg4: memref<8x2097152xf32, #tpu.memory_space<hbm>>, %arg5: memref<2097152xf32, #tpu.memory_space<hbm>>, %arg6: memref<4x2048xf32, #tpu.memory_space<vmem>>, %arg7: memref<4x2048xf32, #tpu.memory_space<vmem>>, %arg8: memref<4x2048xf32, #tpu.memory_space<vmem>>, %arg9: memref<4x2048xf32, #tpu.memory_space<vmem>>, %arg10: memref<8x2048xf32, #tpu.memory_space<vmem>>, %arg11: memref<8x2048xf32, #tpu.memory_space<vmem>>, %arg12: memref<2048xf32, #tpu.memory_space<vmem>>, %arg13: memref<2048xf32, #tpu.memory_space<vmem>>, %arg14: memref<!tpu.dma_semaphore, #tpu.memory_space<semaphore_mem>>, %arg15: memref<!tpu.dma_semaphore, #tpu.memory_space<semaphore_mem>>, %arg16: memref<!tpu.dma_semaphore, #tpu.memory_space<semaphore_mem>>, %arg17: memref<!tpu.dma_semaphore, #tpu.memory_space<semaphore_mem>>) attributes {dimension_semantics = [#tpu.dimension_semantics<core_parallel>, #tpu.dimension_semantics<subcore_parallel>], iteration_bounds = array<i64: 2, 16>, scalar_prefetch = 0 : i64, scratch_operands = 12 : i64, tpu.core_type = #tpu.core_type<sc_vector_subcore>, window_params = [{transform_indices = #map}, {transform_indices = #map}, {transform_indices = #map}, {transform_indices = #map1}]} {
    %mul3A = arith.constant 2 : i32
    %mul3A_0 = arith.muli %arg1, %mul3A : i32
    %add3A = arith.addi %mul3A_0, %arg0 : i32
    %mul3A_1 = arith.constant 65536 : i32
    %mul3A_2 = arith.muli %add3A, %mul3A_1 : i32
    %iota3A = tpu.iota {dimensions = array<i32: 0>} : vector<16xi32>
    %add3A_3 = arith.constant 0 : i32
    %add3A_4 = arith.addi %mul3A_2, %add3A_3 : i32
    %dma_start3A = arith.constant 0 : i32
    %dma_start3A_5 = tpu.memref_slice %arg2[%dma_start3A, %add3A_4] : memref<11x2097152xf32, #tpu.memory_space<hbm>> -> memref<4x2048xf32, #tpu.memory_space<hbm>>
    %dma_start3A_6 = arith.constant 0 : i32
    %dma_start3A_7 = tpu.memref_slice %arg2[%dma_start3A_6, %add3A_4] : memref<11x2097152xf32, #tpu.memory_space<hbm>> -> memref<4x2048xf32, #tpu.memory_space<hbm>>
    tpu.enqueue_dma source(%dma_start3A_7 : memref<4x2048xf32, #tpu.memory_space<hbm>>) target(%arg6 : memref<4x2048xf32, #tpu.memory_space<vmem>>) target_semaphore(%arg14 : memref<!tpu.dma_semaphore, #tpu.memory_space<semaphore_mem>>)
    %dma_start3A_8 = arith.constant 0 : i32
    %dma_start3A_9 = tpu.memref_slice %arg3[%dma_start3A_8, %add3A_4] : memref<11x2097152xf32, #tpu.memory_space<hbm>> -> memref<4x2048xf32, #tpu.memory_space<hbm>>
    %dma_start3A_10 = arith.constant 0 : i32
    %dma_start3A_11 = tpu.memref_slice %arg3[%dma_start3A_10, %add3A_4] : memref<11x2097152xf32, #tpu.memory_space<hbm>> -> memref<4x2048xf32, #tpu.memory_space<hbm>>
    tpu.enqueue_dma source(%dma_start3A_11 : memref<4x2048xf32, #tpu.memory_space<hbm>>) target(%arg8 : memref<4x2048xf32, #tpu.memory_space<vmem>>) target_semaphore(%arg14 : memref<!tpu.dma_semaphore, #tpu.memory_space<semaphore_mem>>)
    %dma_start3A_12 = arith.constant 0 : i32
    %dma_start3A_13 = tpu.memref_slice %arg4[%dma_start3A_12, %add3A_4] : memref<8x2097152xf32, #tpu.memory_space<hbm>> -> memref<8x2048xf32, #tpu.memory_space<hbm>>
    %dma_start3A_14 = arith.constant 0 : i32
    %dma_start3A_15 = tpu.memref_slice %arg4[%dma_start3A_14, %add3A_4] : memref<8x2097152xf32, #tpu.memory_space<hbm>> -> memref<8x2048xf32, #tpu.memory_space<hbm>>
    tpu.enqueue_dma source(%dma_start3A_15 : memref<8x2048xf32, #tpu.memory_space<hbm>>) target(%arg10 : memref<8x2048xf32, #tpu.memory_space<vmem>>) target_semaphore(%arg14 : memref<!tpu.dma_semaphore, #tpu.memory_space<semaphore_mem>>)
    %scan3A = arith.constant 0 : i32
    %scan3A_16 = arith.constant 0 : i32
    %scan3A_17 = arith.constant 16 : i32
    %scan3A_18 = arith.addi %scan3A_16, %scan3A_17 : i32
    %scan3A_19 = arith.constant 1 : i32
    scf.for %scan3A_28 = %scan3A_16 to %scan3A_18 step %scan3A_19  : i32 {
      %mul3A_29 = arith.constant 2 : i32
      %mul3A_30 = arith.muli %scan3A_28, %mul3A_29 : i32
      %add3A_31 = arith.constant 0 : i32
      %add3A_32 = arith.addi %mul3A_30, %add3A_31 : i32
      %add3A_33 = arith.constant 1 : i32
      %add3A_34 = arith.addi %add3A_32, %add3A_33 : i32
      %lt3A = arith.constant 32 : i32
      %lt3A_35 = arith.cmpi slt, %add3A_34, %lt3A : i32
      %convert_element_type3A = arith.extui %lt3A_35 : i1 to i32
      %cond3A = arith.constant 0 : i32
      %cond3A_36 = arith.cmpi ne, %convert_element_type3A, %cond3A : i32
      scf.if %cond3A_36 {
        %add3A_108 = arith.constant 1 : i32
        %add3A_109 = arith.addi %add3A_32, %add3A_108 : i32
        %mul3A_110 = arith.constant 2048 : i32
        %mul3A_111 = arith.muli %add3A_109, %mul3A_110 : i32
        %add3A_112 = arith.addi %mul3A_2, %mul3A_111 : i32
        %dma_start3A_113 = arith.constant 0 : i32
        %dma_start3A_114 = tpu.memref_slice %arg2[%dma_start3A_113, %add3A_112] : memref<11x2097152xf32, #tpu.memory_space<hbm>> -> memref<4x2048xf32, #tpu.memory_space<hbm>>
        %dma_start3A_115 = arith.constant 0 : i32
        %dma_start3A_116 = tpu.memref_slice %arg2[%dma_start3A_115, %add3A_112] : memref<11x2097152xf32, #tpu.memory_space<hbm>> -> memref<4x2048xf32, #tpu.memory_space<hbm>>
        tpu.enqueue_dma source(%dma_start3A_116 : memref<4x2048xf32, #tpu.memory_space<hbm>>) target(%arg7 : memref<4x2048xf32, #tpu.memory_space<vmem>>) target_semaphore(%arg15 : memref<!tpu.dma_semaphore, #tpu.memory_space<semaphore_mem>>)
        %dma_start3A_117 = arith.constant 0 : i32
        %dma_start3A_118 = tpu.memref_slice %arg3[%dma_start3A_117, %add3A_112] : memref<11x2097152xf32, #tpu.memory_space<hbm>> -> memref<4x2048xf32, #tpu.memory_space<hbm>>
        %dma_start3A_119 = arith.constant 0 : i32
        %dma_start3A_120 = tpu.memref_slice %arg3[%dma_start3A_119, %add3A_112] : memref<11x2097152xf32, #tpu.memory_space<hbm>> -> memref<4x2048xf32, #tpu.memory_space<hbm>>
        tpu.enqueue_dma source(%dma_start3A_120 : memref<4x2048xf32, #tpu.memory_space<hbm>>) target(%arg9 : memref<4x2048xf32, #tpu.memory_space<vmem>>) target_semaphore(%arg15 : memref<!tpu.dma_semaphore, #tpu.memory_space<semaphore_mem>>)
        %dma_start3A_121 = arith.constant 0 : i32
        %dma_start3A_122 = tpu.memref_slice %arg4[%dma_start3A_121, %add3A_112] : memref<8x2097152xf32, #tpu.memory_space<hbm>> -> memref<8x2048xf32, #tpu.memory_space<hbm>>
        %dma_start3A_123 = arith.constant 0 : i32
        %dma_start3A_124 = tpu.memref_slice %arg4[%dma_start3A_123, %add3A_112] : memref<8x2097152xf32, #tpu.memory_space<hbm>> -> memref<8x2048xf32, #tpu.memory_space<hbm>>
        tpu.enqueue_dma source(%dma_start3A_124 : memref<8x2048xf32, #tpu.memory_space<hbm>>) target(%arg11 : memref<8x2048xf32, #tpu.memory_space<vmem>>) target_semaphore(%arg15 : memref<!tpu.dma_semaphore, #tpu.memory_space<semaphore_mem>>)
      } else {
      }
      %dma_wait3A_37 = arith.constant 0 : i32
      %dma_wait3A_38 = arith.constant 0 : i32
      %dma_wait3A_39 = tpu.memref_slice %arg2[%dma_wait3A_37, %dma_wait3A_38] : memref<11x2097152xf32, #tpu.memory_space<hbm>> -> memref<4x2048xf32, #tpu.memory_space<hbm>>
      %dma_wait3A_40 = arith.constant 0 : i32
      %dma_wait3A_41 = arith.constant 0 : i32
      %dma_wait3A_42 = tpu.memref_slice %arg2[%dma_wait3A_40, %dma_wait3A_41] : memref<11x2097152xf32, #tpu.memory_space<hbm>> -> memref<4x2048xf32, #tpu.memory_space<hbm>>
      tpu.wait_dma2 semaphore(%arg14 : memref<!tpu.dma_semaphore, #tpu.memory_space<semaphore_mem>>) src(%dma_wait3A_42 : memref<4x2048xf32, #tpu.memory_space<hbm>>) dst(%arg6 : memref<4x2048xf32, #tpu.memory_space<vmem>>)
      %dma_wait3A_43 = arith.constant 0 : i32
      %dma_wait3A_44 = arith.constant 0 : i32
      %dma_wait3A_45 = tpu.memref_slice %arg3[%dma_wait3A_43, %dma_wait3A_44] : memref<11x2097152xf32, #tpu.memory_space<hbm>> -> memref<4x2048xf32, #tpu.memory_space<hbm>>
      %dma_wait3A_46 = arith.constant 0 : i32
      %dma_wait3A_47 = arith.constant 0 : i32
      %dma_wait3A_48 = tpu.memref_slice %arg3[%dma_wait3A_46, %dma_wait3A_47] : memref<11x2097152xf32, #tpu.memory_space<hbm>> -> memref<4x2048xf32, #tpu.memory_space<hbm>>
      tpu.wait_dma2 semaphore(%arg14 : memref<!tpu.dma_semaphore, #tpu.memory_space<semaphore_mem>>) src(%dma_wait3A_48 : memref<4x2048xf32, #tpu.memory_space<hbm>>) dst(%arg8 : memref<4x2048xf32, #tpu.memory_space<vmem>>)
      %dma_wait3A_49 = arith.constant 0 : i32
      %dma_wait3A_50 = arith.constant 0 : i32
      %dma_wait3A_51 = tpu.memref_slice %arg4[%dma_wait3A_49, %dma_wait3A_50] : memref<8x2097152xf32, #tpu.memory_space<hbm>> -> memref<8x2048xf32, #tpu.memory_space<hbm>>
      %dma_wait3A_52 = arith.constant 0 : i32
      %dma_wait3A_53 = arith.constant 0 : i32
      %dma_wait3A_54 = tpu.memref_slice %arg4[%dma_wait3A_52, %dma_wait3A_53] : memref<8x2097152xf32, #tpu.memory_space<hbm>> -> memref<8x2048xf32, #tpu.memory_space<hbm>>
      tpu.wait_dma2 semaphore(%arg14 : memref<!tpu.dma_semaphore, #tpu.memory_space<semaphore_mem>>) src(%dma_wait3A_54 : memref<8x2048xf32, #tpu.memory_space<hbm>>) dst(%arg10 : memref<8x2048xf32, #tpu.memory_space<vmem>>)
      %ge3A = arith.constant 2 : i32
      %ge3A_55 = arith.cmpi sge, %add3A_32, %ge3A : i32
      %convert_element_type3A_56 = arith.extui %ge3A_55 : i1 to i32
      %cond3A_57 = arith.constant 0 : i32
      %cond3A_58 = arith.cmpi ne, %convert_element_type3A_56, %cond3A_57 : i32
      scf.if %cond3A_58 {
        %dma_wait3A_108 = arith.constant 0 : i32
        %dma_wait3A_109 = tpu.memref_slice %arg5[%dma_wait3A_108] : memref<2097152xf32, #tpu.memory_space<hbm>> -> memref<2048xf32, #tpu.memory_space<hbm>>
        %dma_wait3A_110 = arith.constant 0 : i32
        %dma_wait3A_111 = tpu.memref_slice %arg5[%dma_wait3A_110] : memref<2097152xf32, #tpu.memory_space<hbm>> -> memref<2048xf32, #tpu.memory_space<hbm>>
        tpu.wait_dma2 semaphore(%arg16 : memref<!tpu.dma_semaphore, #tpu.memory_space<semaphore_mem>>) src(%arg12 : memref<2048xf32, #tpu.memory_space<vmem>>) dst(%dma_wait3A_111 : memref<2048xf32, #tpu.memory_space<hbm>>)
      } else {
      }
      %parallel_loop3A = arith.constant 0 : i32
      %parallel_loop3A_59 = arith.constant 128 : i32
      %parallel_loop3A_60 = arith.constant 1 : i32
      scf.for %parallel_loop3A_108 = %parallel_loop3A to %parallel_loop3A_59 step %parallel_loop3A_60  : i32 {
        %parallel_loop3A_109 = arith.constant 16 : i32
        %parallel_loop3A_110 = arith.muli %parallel_loop3A_108, %parallel_loop3A_109 : i32
        %parallel_loop3A_111 = arith.constant 0 : i32
        %parallel_loop3A_112 = arith.index_cast %parallel_loop3A_111 : i32 to index
        %parallel_loop3A_113 = arith.index_cast %parallel_loop3A_110 : i32 to index
        %parallel_loop3A_114 = tpu.vector_load %arg6[%parallel_loop3A_112, %parallel_loop3A_113] {strides = array<i32>} : memref<4x2048xf32, #tpu.memory_space<vmem>>, vector<16xf32>,
        %parallel_loop3A_115 = arith.constant 1 : i32
        %parallel_loop3A_116 = arith.index_cast %parallel_loop3A_115 : i32 to index
        %parallel_loop3A_117 = arith.index_cast %parallel_loop3A_110 : i32 to index
        %parallel_loop3A_118 = tpu.vector_load %arg6[%parallel_loop3A_116, %parallel_loop3A_117] {strides = array<i32>} : memref<4x2048xf32, #tpu.memory_space<vmem>>, vector<16xf32>,
        %parallel_loop3A_119 = arith.constant 2 : i32
        %parallel_loop3A_120 = arith.index_cast %parallel_loop3A_119 : i32 to index
        %parallel_loop3A_121 = arith.index_cast %parallel_loop3A_110 : i32 to index
        %parallel_loop3A_122 = tpu.vector_load %arg6[%parallel_loop3A_120, %parallel_loop3A_121] {strides = array<i32>} : memref<4x2048xf32, #tpu.memory_space<vmem>>, vector<16xf32>,
        %parallel_loop3A_123 = arith.constant 3 : i32
        %parallel_loop3A_124 = arith.index_cast %parallel_loop3A_123 : i32 to index
        %parallel_loop3A_125 = arith.index_cast %parallel_loop3A_110 : i32 to index
        %parallel_loop3A_126 = tpu.vector_load %arg6[%parallel_loop3A_124, %parallel_loop3A_125] {strides = array<i32>} : memref<4x2048xf32, #tpu.memory_space<vmem>>, vector<16xf32>,
        %parallel_loop3A_127 = arith.constant 0 : i32
        %parallel_loop3A_128 = arith.index_cast %parallel_loop3A_127 : i32 to index
        %parallel_loop3A_129 = arith.index_cast %parallel_loop3A_110 : i32 to index
        %parallel_loop3A_130 = tpu.vector_load %arg8[%parallel_loop3A_128, %parallel_loop3A_129] {strides = array<i32>} : memref<4x2048xf32, #tpu.memory_space<vmem>>, vector<16xf32>,
        %parallel_loop3A_131 = arith.constant 1 : i32
        %parallel_loop3A_132 = arith.index_cast %parallel_loop3A_131 : i32 to index
        %parallel_loop3A_133 = arith.index_cast %parallel_loop3A_110 : i32 to index
        %parallel_loop3A_134 = tpu.vector_load %arg8[%parallel_loop3A_132, %parallel_loop3A_133] {strides = array<i32>} : memref<4x2048xf32, #tpu.memory_space<vmem>>, vector<16xf32>,
        %parallel_loop3A_135 = arith.constant 2 : i32
        %parallel_loop3A_136 = arith.index_cast %parallel_loop3A_135 : i32 to index
        %parallel_loop3A_137 = arith.index_cast %parallel_loop3A_110 : i32 to index
        %parallel_loop3A_138 = tpu.vector_load %arg8[%parallel_loop3A_136, %parallel_loop3A_137] {strides = array<i32>} : memref<4x2048xf32, #tpu.memory_space<vmem>>, vector<16xf32>,
        %parallel_loop3A_139 = arith.constant 3 : i32
        %parallel_loop3A_140 = arith.index_cast %parallel_loop3A_139 : i32 to index
        %parallel_loop3A_141 = arith.index_cast %parallel_loop3A_110 : i32 to index
        %parallel_loop3A_142 = tpu.vector_load %arg8[%parallel_loop3A_140, %parallel_loop3A_141] {strides = array<i32>} : memref<4x2048xf32, #tpu.memory_space<vmem>>, vector<16xf32>,
        %parallel_loop3A_143 = arith.addf %parallel_loop3A_130, %parallel_loop3A_138 : vector<16xf32>
        %parallel_loop3A_144 = arith.addf %parallel_loop3A_114, %parallel_loop3A_122 : vector<16xf32>
        %parallel_loop3A_145 = arith.subf %parallel_loop3A_143, %parallel_loop3A_144 : vector<16xf32>
        %parallel_loop3A_146 = arith.addf %parallel_loop3A_134, %parallel_loop3A_142 : vector<16xf32>
        %parallel_loop3A_147 = arith.addf %parallel_loop3A_118, %parallel_loop3A_126 : vector<16xf32>
        %parallel_loop3A_148 = arith.subf %parallel_loop3A_146, %parallel_loop3A_147 : vector<16xf32>
        %parallel_loop3A_149 = arith.mulf %parallel_loop3A_145, %parallel_loop3A_145 : vector<16xf32>
        %parallel_loop3A_150 = arith.mulf %parallel_loop3A_148, %parallel_loop3A_148 : vector<16xf32>
        %parallel_loop3A_151 = arith.addf %parallel_loop3A_149, %parallel_loop3A_150 : vector<16xf32>
        %parallel_loop3A_152 = arith.constant 6.250000e-02 : f32
        %parallel_loop3A_153 = vector.broadcast %parallel_loop3A_152 : f32 to vector<16xf32>
        %parallel_loop3A_154 = arith.cmpf oge, %parallel_loop3A_151, %parallel_loop3A_153 : vector<16xf32>
        %parallel_loop3A_155 = arith.extui %parallel_loop3A_154 : vector<16xi1> to vector<16xi32>
        %parallel_loop3A_156 = arith.constant 2.500000e-01 : f32
        %parallel_loop3A_157 = vector.broadcast %parallel_loop3A_156 : f32 to vector<16xf32>
        %parallel_loop3A_158 = arith.cmpf oge, %parallel_loop3A_151, %parallel_loop3A_157 : vector<16xf32>
        %parallel_loop3A_159 = arith.extui %parallel_loop3A_158 : vector<16xi1> to vector<16xi32>
        %parallel_loop3A_160 = arith.addi %parallel_loop3A_155, %parallel_loop3A_159 : vector<16xi32>
        %parallel_loop3A_161 = arith.constant 5.625000e-01 : f32
        %parallel_loop3A_162 = vector.broadcast %parallel_loop3A_161 : f32 to vector<16xf32>
        %parallel_loop3A_163 = arith.cmpf oge, %parallel_loop3A_151, %parallel_loop3A_162 : vector<16xf32>
        %parallel_loop3A_164 = arith.extui %parallel_loop3A_163 : vector<16xi1> to vector<16xi32>
        %parallel_loop3A_165 = arith.addi %parallel_loop3A_160, %parallel_loop3A_164 : vector<16xi32>
        %parallel_loop3A_166 = arith.constant 1.000000e+00 : f32
        %parallel_loop3A_167 = vector.broadcast %parallel_loop3A_166 : f32 to vector<16xf32>
        %parallel_loop3A_168 = arith.cmpf oge, %parallel_loop3A_151, %parallel_loop3A_167 : vector<16xf32>
        %parallel_loop3A_169 = arith.extui %parallel_loop3A_168 : vector<16xi1> to vector<16xi32>
        %parallel_loop3A_170 = arith.addi %parallel_loop3A_165, %parallel_loop3A_169 : vector<16xi32>
        %parallel_loop3A_171 = arith.constant 1.562500e+00 : f32
        %parallel_loop3A_172 = vector.broadcast %parallel_loop3A_171 : f32 to vector<16xf32>
        %parallel_loop3A_173 = arith.cmpf oge, %parallel_loop3A_151, %parallel_loop3A_172 : vector<16xf32>
        %parallel_loop3A_174 = arith.extui %parallel_loop3A_173 : vector<16xi1> to vector<16xi32>
        %parallel_loop3A_175 = arith.addi %parallel_loop3A_170, %parallel_loop3A_174 : vector<16xi32>
        %parallel_loop3A_176 = arith.constant 2.250000e+00 : f32
        %parallel_loop3A_177 = vector.broadcast %parallel_loop3A_176 : f32 to vector<16xf32>
        %parallel_loop3A_178 = arith.cmpf oge, %parallel_loop3A_151, %parallel_loop3A_177 : vector<16xf32>
        %parallel_loop3A_179 = arith.extui %parallel_loop3A_178 : vector<16xi1> to vector<16xi32>
        %parallel_loop3A_180 = arith.addi %parallel_loop3A_175, %parallel_loop3A_179 : vector<16xi32>
        %parallel_loop3A_181 = arith.constant 3.062500e+00 : f32
        %parallel_loop3A_182 = vector.broadcast %parallel_loop3A_181 : f32 to vector<16xf32>
        %parallel_loop3A_183 = arith.cmpf oge, %parallel_loop3A_151, %parallel_loop3A_182 : vector<16xf32>
        %parallel_loop3A_184 = arith.extui %parallel_loop3A_183 : vector<16xi1> to vector<16xi32>
        %parallel_loop3A_185 = arith.addi %parallel_loop3A_180, %parallel_loop3A_184 : vector<16xi32>
        %parallel_loop3A_186 = vector.broadcast %parallel_loop3A_110 : i32 to vector<16xi32>
        %parallel_loop3A_187 = arith.addi %iota3A, %parallel_loop3A_186 : vector<16xi32>
        %parallel_loop3A_188 = tpu.vector_load_idx %arg10[%parallel_loop3A_185, %parallel_loop3A_187] : memref<8x2048xf32, #tpu.memory_space<vmem>>[vector<16xi32>, vector<16xi32>], vector<16xf32>,
        %parallel_loop3A_189 = arith.index_cast %parallel_loop3A_110 : i32 to index
        %parallel_loop3A_190 = tpu.vector_load %arg12[%parallel_loop3A_189] {strides = array<i32>} : memref<2048xf32, #tpu.memory_space<vmem>>, vector<16xf32>,
        tpu.vector_store %arg12[%parallel_loop3A_189], %parallel_loop3A_188 {strides = array<i32>} : memref<2048xf32, #tpu.memory_space<vmem>>, vector<16xf32>,
      } {sc.loop_unroll_factor = 4 : i64, sc.parallel_access}
      %mul3A_61 = arith.constant 2048 : i32
      %mul3A_62 = arith.muli %add3A_32, %mul3A_61 : i32
      %add3A_63 = arith.addi %mul3A_2, %mul3A_62 : i32
      %dma_start3A_64 = tpu.memref_slice %arg5[%add3A_63] : memref<2097152xf32, #tpu.memory_space<hbm>> -> memref<2048xf32, #tpu.memory_space<hbm>>
      %dma_start3A_65 = tpu.memref_slice %arg5[%add3A_63] : memref<2097152xf32, #tpu.memory_space<hbm>> -> memref<2048xf32, #tpu.memory_space<hbm>>
      tpu.enqueue_dma source(%arg12 : memref<2048xf32, #tpu.memory_space<vmem>>) target(%dma_start3A_65 : memref<2048xf32, #tpu.memory_space<hbm>>) target_semaphore(%arg16 : memref<!tpu.dma_semaphore, #tpu.memory_space<semaphore_mem>>)
      %mul3A_66 = arith.constant 2 : i32
      %mul3A_67 = arith.muli %scan3A_28, %mul3A_66 : i32
      %add3A_68 = arith.constant 1 : i32
      %add3A_69 = arith.addi %mul3A_67, %add3A_68 : i32
      %add3A_70 = arith.constant 1 : i32
      %add3A_71 = arith.addi %add3A_69, %add3A_70 : i32
      %lt3A_72 = arith.constant 32 : i32
      %lt3A_73 = arith.cmpi slt, %add3A_71, %lt3A_72 : i32
      %convert_element_type3A_74 = arith.extui %lt3A_73 : i1 to i32
      %cond3A_75 = arith.constant 0 : i32
      %cond3A_76 = arith.cmpi ne, %convert_element_type3A_74, %cond3A_75 : i32
      scf.if %cond3A_76 {
        %add3A_108 = arith.constant 1 : i32
        %add3A_109 = arith.addi %add3A_69, %add3A_108 : i32
        %mul3A_110 = arith.constant 2048 : i32
        %mul3A_111 = arith.muli %add3A_109, %mul3A_110 : i32
        %add3A_112 = arith.addi %mul3A_2, %mul3A_111 : i32
        %dma_start3A_113 = arith.constant 0 : i32
        %dma_start3A_114 = tpu.memref_slice %arg2[%dma_start3A_113, %add3A_112] : memref<11x2097152xf32, #tpu.memory_space<hbm>> -> memref<4x2048xf32, #tpu.memory_space<hbm>>
        %dma_start3A_115 = arith.constant 0 : i32
        %dma_start3A_116 = tpu.memref_slice %arg2[%dma_start3A_115, %add3A_112] : memref<11x2097152xf32, #tpu.memory_space<hbm>> -> memref<4x2048xf32, #tpu.memory_space<hbm>>
        tpu.enqueue_dma source(%dma_start3A_116 : memref<4x2048xf32, #tpu.memory_space<hbm>>) target(%arg6 : memref<4x2048xf32, #tpu.memory_space<vmem>>) target_semaphore(%arg14 : memref<!tpu.dma_semaphore, #tpu.memory_space<semaphore_mem>>)
        %dma_start3A_117 = arith.constant 0 : i32
        %dma_start3A_118 = tpu.memref_slice %arg3[%dma_start3A_117, %add3A_112] : memref<11x2097152xf32, #tpu.memory_space<hbm>> -> memref<4x2048xf32, #tpu.memory_space<hbm>>
        %dma_start3A_119 = arith.constant 0 : i32
        %dma_start3A_120 = tpu.memref_slice %arg3[%dma_start3A_119, %add3A_112] : memref<11x2097152xf32, #tpu.memory_space<hbm>> -> memref<4x2048xf32, #tpu.memory_space<hbm>>
        tpu.enqueue_dma source(%dma_start3A_120 : memref<4x2048xf32, #tpu.memory_space<hbm>>) target(%arg8 : memref<4x2048xf32, #tpu.memory_space<vmem>>) target_semaphore(%arg14 : memref<!tpu.dma_semaphore, #tpu.memory_space<semaphore_mem>>)
        %dma_start3A_121 = arith.constant 0 : i32
        %dma_start3A_122 = tpu.memref_slice %arg4[%dma_start3A_121, %add3A_112] : memref<8x2097152xf32, #tpu.memory_space<hbm>> -> memref<8x2048xf32, #tpu.memory_space<hbm>>
        %dma_start3A_123 = arith.constant 0 : i32
        %dma_start3A_124 = tpu.memref_slice %arg4[%dma_start3A_123, %add3A_112] : memref<8x2097152xf32, #tpu.memory_space<hbm>> -> memref<8x2048xf32, #tpu.memory_space<hbm>>
        tpu.enqueue_dma source(%dma_start3A_124 : memref<8x2048xf32, #tpu.memory_space<hbm>>) target(%arg10 : memref<8x2048xf32, #tpu.memory_space<vmem>>) target_semaphore(%arg14 : memref<!tpu.dma_semaphore, #tpu.memory_space<semaphore_mem>>)
      } else {
      }
      %dma_wait3A_77 = arith.constant 0 : i32
      %dma_wait3A_78 = arith.constant 0 : i32
      %dma_wait3A_79 = tpu.memref_slice %arg2[%dma_wait3A_77, %dma_wait3A_78] : memref<11x2097152xf32, #tpu.memory_space<hbm>> -> memref<4x2048xf32, #tpu.memory_space<hbm>>
      %dma_wait3A_80 = arith.constant 0 : i32
      %dma_wait3A_81 = arith.constant 0 : i32
      %dma_wait3A_82 = tpu.memref_slice %arg2[%dma_wait3A_80, %dma_wait3A_81] : memref<11x2097152xf32, #tpu.memory_space<hbm>> -> memref<4x2048xf32, #tpu.memory_space<hbm>>
      tpu.wait_dma2 semaphore(%arg15 : memref<!tpu.dma_semaphore, #tpu.memory_space<semaphore_mem>>) src(%dma_wait3A_82 : memref<4x2048xf32, #tpu.memory_space<hbm>>) dst(%arg7 : memref<4x2048xf32, #tpu.memory_space<vmem>>)
      %dma_wait3A_83 = arith.constant 0 : i32
      %dma_wait3A_84 = arith.constant 0 : i32
      %dma_wait3A_85 = tpu.memref_slice %arg3[%dma_wait3A_83, %dma_wait3A_84] : memref<11x2097152xf32, #tpu.memory_space<hbm>> -> memref<4x2048xf32, #tpu.memory_space<hbm>>
      %dma_wait3A_86 = arith.constant 0 : i32
      %dma_wait3A_87 = arith.constant 0 : i32
      %dma_wait3A_88 = tpu.memref_slice %arg3[%dma_wait3A_86, %dma_wait3A_87] : memref<11x2097152xf32, #tpu.memory_space<hbm>> -> memref<4x2048xf32, #tpu.memory_space<hbm>>
      tpu.wait_dma2 semaphore(%arg15 : memref<!tpu.dma_semaphore, #tpu.memory_space<semaphore_mem>>) src(%dma_wait3A_88 : memref<4x2048xf32, #tpu.memory_space<hbm>>) dst(%arg9 : memref<4x2048xf32, #tpu.memory_space<vmem>>)
      %dma_wait3A_89 = arith.constant 0 : i32
      %dma_wait3A_90 = arith.constant 0 : i32
      %dma_wait3A_91 = tpu.memref_slice %arg4[%dma_wait3A_89, %dma_wait3A_90] : memref<8x2097152xf32, #tpu.memory_space<hbm>> -> memref<8x2048xf32, #tpu.memory_space<hbm>>
      %dma_wait3A_92 = arith.constant 0 : i32
      %dma_wait3A_93 = arith.constant 0 : i32
      %dma_wait3A_94 = tpu.memref_slice %arg4[%dma_wait3A_92, %dma_wait3A_93] : memref<8x2097152xf32, #tpu.memory_space<hbm>> -> memref<8x2048xf32, #tpu.memory_space<hbm>>
      tpu.wait_dma2 semaphore(%arg15 : memref<!tpu.dma_semaphore, #tpu.memory_space<semaphore_mem>>) src(%dma_wait3A_94 : memref<8x2048xf32, #tpu.memory_space<hbm>>) dst(%arg11 : memref<8x2048xf32, #tpu.memory_space<vmem>>)
      %ge3A_95 = arith.constant 2 : i32
      %ge3A_96 = arith.cmpi sge, %add3A_69, %ge3A_95 : i32
      %convert_element_type3A_97 = arith.extui %ge3A_96 : i1 to i32
      %cond3A_98 = arith.constant 0 : i32
      %cond3A_99 = arith.cmpi ne, %convert_element_type3A_97, %cond3A_98 : i32
      scf.if %cond3A_99 {
        %dma_wait3A_108 = arith.constant 0 : i32
        %dma_wait3A_109 = tpu.memref_slice %arg5[%dma_wait3A_108] : memref<2097152xf32, #tpu.memory_space<hbm>> -> memref<2048xf32, #tpu.memory_space<hbm>>
        %dma_wait3A_110 = arith.constant 0 : i32
        %dma_wait3A_111 = tpu.memref_slice %arg5[%dma_wait3A_110] : memref<2097152xf32, #tpu.memory_space<hbm>> -> memref<2048xf32, #tpu.memory_space<hbm>>
        tpu.wait_dma2 semaphore(%arg17 : memref<!tpu.dma_semaphore, #tpu.memory_space<semaphore_mem>>) src(%arg13 : memref<2048xf32, #tpu.memory_space<vmem>>) dst(%dma_wait3A_111 : memref<2048xf32, #tpu.memory_space<hbm>>)
      } else {
      }
      %parallel_loop3A_100 = arith.constant 0 : i32
      %parallel_loop3A_101 = arith.constant 128 : i32
      %parallel_loop3A_102 = arith.constant 1 : i32
      scf.for %parallel_loop3A_108 = %parallel_loop3A_100 to %parallel_loop3A_101 step %parallel_loop3A_102  : i32 {
        %parallel_loop3A_109 = arith.constant 16 : i32
        %parallel_loop3A_110 = arith.muli %parallel_loop3A_108, %parallel_loop3A_109 : i32
        %parallel_loop3A_111 = arith.constant 0 : i32
        %parallel_loop3A_112 = arith.index_cast %parallel_loop3A_111 : i32 to index
        %parallel_loop3A_113 = arith.index_cast %parallel_loop3A_110 : i32 to index
        %parallel_loop3A_114 = tpu.vector_load %arg7[%parallel_loop3A_112, %parallel_loop3A_113] {strides = array<i32>} : memref<4x2048xf32, #tpu.memory_space<vmem>>, vector<16xf32>,
        %parallel_loop3A_115 = arith.constant 1 : i32
        %parallel_loop3A_116 = arith.index_cast %parallel_loop3A_115 : i32 to index
        %parallel_loop3A_117 = arith.index_cast %parallel_loop3A_110 : i32 to index
        %parallel_loop3A_118 = tpu.vector_load %arg7[%parallel_loop3A_116, %parallel_loop3A_117] {strides = array<i32>} : memref<4x2048xf32, #tpu.memory_space<vmem>>, vector<16xf32>,
        %parallel_loop3A_119 = arith.constant 2 : i32
        %parallel_loop3A_120 = arith.index_cast %parallel_loop3A_119 : i32 to index
        %parallel_loop3A_121 = arith.index_cast %parallel_loop3A_110 : i32 to index
        %parallel_loop3A_122 = tpu.vector_load %arg7[%parallel_loop3A_120, %parallel_loop3A_121] {strides = array<i32>} : memref<4x2048xf32, #tpu.memory_space<vmem>>, vector<16xf32>,
        %parallel_loop3A_123 = arith.constant 3 : i32
        %parallel_loop3A_124 = arith.index_cast %parallel_loop3A_123 : i32 to index
        %parallel_loop3A_125 = arith.index_cast %parallel_loop3A_110 : i32 to index
        %parallel_loop3A_126 = tpu.vector_load %arg7[%parallel_loop3A_124, %parallel_loop3A_125] {strides = array<i32>} : memref<4x2048xf32, #tpu.memory_space<vmem>>, vector<16xf32>,
        %parallel_loop3A_127 = arith.constant 0 : i32
        %parallel_loop3A_128 = arith.index_cast %parallel_loop3A_127 : i32 to index
        %parallel_loop3A_129 = arith.index_cast %parallel_loop3A_110 : i32 to index
        %parallel_loop3A_130 = tpu.vector_load %arg9[%parallel_loop3A_128, %parallel_loop3A_129] {strides = array<i32>} : memref<4x2048xf32, #tpu.memory_space<vmem>>, vector<16xf32>,
        %parallel_loop3A_131 = arith.constant 1 : i32
        %parallel_loop3A_132 = arith.index_cast %parallel_loop3A_131 : i32 to index
        %parallel_loop3A_133 = arith.index_cast %parallel_loop3A_110 : i32 to index
        %parallel_loop3A_134 = tpu.vector_load %arg9[%parallel_loop3A_132, %parallel_loop3A_133] {strides = array<i32>} : memref<4x2048xf32, #tpu.memory_space<vmem>>, vector<16xf32>,
        %parallel_loop3A_135 = arith.constant 2 : i32
        %parallel_loop3A_136 = arith.index_cast %parallel_loop3A_135 : i32 to index
        %parallel_loop3A_137 = arith.index_cast %parallel_loop3A_110 : i32 to index
        %parallel_loop3A_138 = tpu.vector_load %arg9[%parallel_loop3A_136, %parallel_loop3A_137] {strides = array<i32>} : memref<4x2048xf32, #tpu.memory_space<vmem>>, vector<16xf32>,
        %parallel_loop3A_139 = arith.constant 3 : i32
        %parallel_loop3A_140 = arith.index_cast %parallel_loop3A_139 : i32 to index
        %parallel_loop3A_141 = arith.index_cast %parallel_loop3A_110 : i32 to index
        %parallel_loop3A_142 = tpu.vector_load %arg9[%parallel_loop3A_140, %parallel_loop3A_141] {strides = array<i32>} : memref<4x2048xf32, #tpu.memory_space<vmem>>, vector<16xf32>,
        %parallel_loop3A_143 = arith.addf %parallel_loop3A_130, %parallel_loop3A_138 : vector<16xf32>
        %parallel_loop3A_144 = arith.addf %parallel_loop3A_114, %parallel_loop3A_122 : vector<16xf32>
        %parallel_loop3A_145 = arith.subf %parallel_loop3A_143, %parallel_loop3A_144 : vector<16xf32>
        %parallel_loop3A_146 = arith.addf %parallel_loop3A_134, %parallel_loop3A_142 : vector<16xf32>
        %parallel_loop3A_147 = arith.addf %parallel_loop3A_118, %parallel_loop3A_126 : vector<16xf32>
        %parallel_loop3A_148 = arith.subf %parallel_loop3A_146, %parallel_loop3A_147 : vector<16xf32>
        %parallel_loop3A_149 = arith.mulf %parallel_loop3A_145, %parallel_loop3A_145 : vector<16xf32>
        %parallel_loop3A_150 = arith.mulf %parallel_loop3A_148, %parallel_loop3A_148 : vector<16xf32>
        %parallel_loop3A_151 = arith.addf %parallel_loop3A_149, %parallel_loop3A_150 : vector<16xf32>
        %parallel_loop3A_152 = arith.constant 6.250000e-02 : f32
        %parallel_loop3A_153 = vector.broadcast %parallel_loop3A_152 : f32 to vector<16xf32>
        %parallel_loop3A_154 = arith.cmpf oge, %parallel_loop3A_151, %parallel_loop3A_153 : vector<16xf32>
        %parallel_loop3A_155 = arith.extui %parallel_loop3A_154 : vector<16xi1> to vector<16xi32>
        %parallel_loop3A_156 = arith.constant 2.500000e-01 : f32
        %parallel_loop3A_157 = vector.broadcast %parallel_loop3A_156 : f32 to vector<16xf32>
        %parallel_loop3A_158 = arith.cmpf oge, %parallel_loop3A_151, %parallel_loop3A_157 : vector<16xf32>
        %parallel_loop3A_159 = arith.extui %parallel_loop3A_158 : vector<16xi1> to vector<16xi32>
        %parallel_loop3A_160 = arith.addi %parallel_loop3A_155, %parallel_loop3A_159 : vector<16xi32>
        %parallel_loop3A_161 = arith.constant 5.625000e-01 : f32
        %parallel_loop3A_162 = vector.broadcast %parallel_loop3A_161 : f32 to vector<16xf32>
        %parallel_loop3A_163 = arith.cmpf oge, %parallel_loop3A_151, %parallel_loop3A_162 : vector<16xf32>
        %parallel_loop3A_164 = arith.extui %parallel_loop3A_163 : vector<16xi1> to vector<16xi32>
        %parallel_loop3A_165 = arith.addi %parallel_loop3A_160, %parallel_loop3A_164 : vector<16xi32>
        %parallel_loop3A_166 = arith.constant 1.000000e+00 : f32
        %parallel_loop3A_167 = vector.broadcast %parallel_loop3A_166 : f32 to vector<16xf32>
        %parallel_loop3A_168 = arith.cmpf oge, %parallel_loop3A_151, %parallel_loop3A_167 : vector<16xf32>
        %parallel_loop3A_169 = arith.extui %parallel_loop3A_168 : vector<16xi1> to vector<16xi32>
        %parallel_loop3A_170 = arith.addi %parallel_loop3A_165, %parallel_loop3A_169 : vector<16xi32>
        %parallel_loop3A_171 = arith.constant 1.562500e+00 : f32
        %parallel_loop3A_172 = vector.broadcast %parallel_loop3A_171 : f32 to vector<16xf32>
        %parallel_loop3A_173 = arith.cmpf oge, %parallel_loop3A_151, %parallel_loop3A_172 : vector<16xf32>
        %parallel_loop3A_174 = arith.extui %parallel_loop3A_173 : vector<16xi1> to vector<16xi32>
        %parallel_loop3A_175 = arith.addi %parallel_loop3A_170, %parallel_loop3A_174 : vector<16xi32>
        %parallel_loop3A_176 = arith.constant 2.250000e+00 : f32
        %parallel_loop3A_177 = vector.broadcast %parallel_loop3A_176 : f32 to vector<16xf32>
        %parallel_loop3A_178 = arith.cmpf oge, %parallel_loop3A_151, %parallel_loop3A_177 : vector<16xf32>
        %parallel_loop3A_179 = arith.extui %parallel_loop3A_178 : vector<16xi1> to vector<16xi32>
        %parallel_loop3A_180 = arith.addi %parallel_loop3A_175, %parallel_loop3A_179 : vector<16xi32>
        %parallel_loop3A_181 = arith.constant 3.062500e+00 : f32
        %parallel_loop3A_182 = vector.broadcast %parallel_loop3A_181 : f32 to vector<16xf32>
        %parallel_loop3A_183 = arith.cmpf oge, %parallel_loop3A_151, %parallel_loop3A_182 : vector<16xf32>
        %parallel_loop3A_184 = arith.extui %parallel_loop3A_183 : vector<16xi1> to vector<16xi32>
        %parallel_loop3A_185 = arith.addi %parallel_loop3A_180, %parallel_loop3A_184 : vector<16xi32>
        %parallel_loop3A_186 = vector.broadcast %parallel_loop3A_110 : i32 to vector<16xi32>
        %parallel_loop3A_187 = arith.addi %iota3A, %parallel_loop3A_186 : vector<16xi32>
        %parallel_loop3A_188 = tpu.vector_load_idx %arg11[%parallel_loop3A_185, %parallel_loop3A_187] : memref<8x2048xf32, #tpu.memory_space<vmem>>[vector<16xi32>, vector<16xi32>], vector<16xf32>,
        %parallel_loop3A_189 = arith.index_cast %parallel_loop3A_110 : i32 to index
        %parallel_loop3A_190 = tpu.vector_load %arg13[%parallel_loop3A_189] {strides = array<i32>} : memref<2048xf32, #tpu.memory_space<vmem>>, vector<16xf32>,
        tpu.vector_store %arg13[%parallel_loop3A_189], %parallel_loop3A_188 {strides = array<i32>} : memref<2048xf32, #tpu.memory_space<vmem>>, vector<16xf32>,
      } {sc.loop_unroll_factor = 4 : i64, sc.parallel_access}
      %mul3A_103 = arith.constant 2048 : i32
      %mul3A_104 = arith.muli %add3A_69, %mul3A_103 : i32
      %add3A_105 = arith.addi %mul3A_2, %mul3A_104 : i32
      %dma_start3A_106 = tpu.memref_slice %arg5[%add3A_105] : memref<2097152xf32, #tpu.memory_space<hbm>> -> memref<2048xf32, #tpu.memory_space<hbm>>
      %dma_start3A_107 = tpu.memref_slice %arg5[%add3A_105] : memref<2097152xf32, #tpu.memory_space<hbm>> -> memref<2048xf32, #tpu.memory_space<hbm>>
      tpu.enqueue_dma source(%arg13 : memref<2048xf32, #tpu.memory_space<vmem>>) target(%dma_start3A_107 : memref<2048xf32, #tpu.memory_space<hbm>>) target_semaphore(%arg17 : memref<!tpu.dma_semaphore, #tpu.memory_space<semaphore_mem>>)
    }
    %scan3A_20 = arith.constant 16 : i32
    %dma_wait3A = arith.constant 0 : i32
    %dma_wait3A_21 = tpu.memref_slice %arg5[%dma_wait3A] : memref<2097152xf32, #tpu.memory_space<hbm>> -> memref<2048xf32, #tpu.memory_space<hbm>>
    %dma_wait3A_22 = arith.constant 0 : i32
    %dma_wait3A_23 = tpu.memref_slice %arg5[%dma_wait3A_22] : memref<2097152xf32, #tpu.memory_space<hbm>> -> memref<2048xf32, #tpu.memory_space<hbm>>
    tpu.wait_dma2 semaphore(%arg16 : memref<!tpu.dma_semaphore, #tpu.memory_space<semaphore_mem>>) src(%arg12 : memref<2048xf32, #tpu.memory_space<vmem>>) dst(%dma_wait3A_23 : memref<2048xf32, #tpu.memory_space<hbm>>)
    %dma_wait3A_24 = arith.constant 0 : i32
    %dma_wait3A_25 = tpu.memref_slice %arg5[%dma_wait3A_24] : memref<2097152xf32, #tpu.memory_space<hbm>> -> memref<2048xf32, #tpu.memory_space<hbm>>
    %dma_wait3A_26 = arith.constant 0 : i32
    %dma_wait3A_27 = tpu.memref_slice %arg5[%dma_wait3A_26] : memref<2097152xf32, #tpu.memory_space<hbm>> -> memref<2048xf32, #tpu.memory_space<hbm>>
    tpu.wait_dma2 semaphore(%arg17 : memref<!tpu.dma_semaphore, #tpu.memory_space<semaphore_mem>>) src(%arg13 : memref<2048xf32, #tpu.memory_space<vmem>>) dst(%dma_wait3A_27 : memref<2048xf32, #tpu.memory_space<hbm>>)
    return
  }
}

</mosaic_0001>

<sc_bundles>
// kernel: kernel.3.cloned.1.call-start
scs
__scs_entry_jumppad:
0x0: {  	(pc) =	sbr.rel $0x88, $3  }
0x1: {  	(tag) =	ssettag $0x0;
	lr =	simm.s32 $0x1  }
0x2: {  	[smem:$0x3F9E] =	sst lr;
	_ =	strace $0xD0000000  }
0x3: {  	_ = 	snop  }
0x4: {  	_ = 	snop  }
0x5: {  	_ = 	snop  }
0x6: {  	_ = 	snop  }
0x7: {  	_ = 	snop  }
__scs_overlays_trampoline_lowered:
0x8: {  	[smem:$0x3FAD] =	sst s0  }
0x9: {  	[smem:$0x3FAE] =	sst s1  }
0xa: {  	[smem:$0x3FAF] =	sst s2  }
0xb: {  	[smem:$0x3FB0] =	sst s3  }
0xc: {  	[smem:$0x3FB1] =	sst s4  }
0xd: {  	[smem:$0x3FB2] =	sst s5  }
0xe: {  	[smem:$0x3FB3] =	sst s6  }
0xf: {  	[smem:$0x3FB4] =	sst s7  }
0x10: {  	[smem:$0x3FB5] =	sst s8  }
0x11: {  	[smem:$0x3FB6] =	sst s9;
	s0 =	simm.s32 @!p0 $0x0  }
0x12: {  	s1 =	sld [smem:$0x3F9C];
	s0 =	simm.s32 @p0 $0x1  }
0x13: {  	[smem:$0x3FB7] =	sst s0;
	s0 =	simm.s32 @!p1 $0x0  }
0x14: {  	s2 =	sld [smem:$0x3F9B];
	s0 =	simm.s32 @p1 $0x1  }
0x15: {  	[smem:$0x3FB8] =	sst s0;
	s0 =	simm.s32 @!p2 $0x0  }
0x16: {  	s3 =	sld [smem:$0x3FDB];
	s0 =	simm.s32 @p2 $0x1  }
0x17: {  	s4 =	simm.s32 $0x1BF5;
	[smem:$0x3FBA] =	sst s0  }
0x18: {  	s0 =	sld [smem:$0x3F9D];
	_ =	swait.ge [sflag:s4], $0x0  }
0x19: {  	s7 =	sld [smem:$0x3F9E]  }
0x1a: {  	s8 =	sadd.s32 $0xFFFFE003, lr  }
0x1b: {  	s9 =	sadd.s32 $0xFFFFFEF7, lr;
	s5 =	simm.s32 $0xFFFFFFFF;
	p2 =	slt.u32 s8, $0xFFFFF086  }
0x1c: {  	p1 =	slt.u32 s9, $0xF7A;
	s5 =	simm.s32 @!p2 $0x0  }
0x1d: {  	s5 =	simm.s32 @p1 $0x1;
	p0 =	seq.s32 s7, s2  }
0x1e: {  	s7 =	smul.u32 @!p0 $0xF7A, s2;
	p2 =	seq.s32 @!p0 s5, $0x0  }
0x1f: {  	s9 =	smul.u32 $0xF7A, s1;
	s8 =	simm.s32 @!p0 $0x1BF5;
	p2 =	por !p2, p0  }
0x20: {  	[sflag:s8] =	ssyncset.s32 @!p0 $0xFFFFF086;
	s6 =	sadd.s32 @!p0 s3, s7;
	s7 =	simm.s32 @!p0 $0x108  }
0x21: {  	s3 =	sadd.s32 s3, s9;
	s6 =	sadd.s32 @!p0 $0x88, s6;
	s7 =	simm.s32 @p2 $0x1082  }
0x22: {  	[simem:s7], [sflag:s8] =	dma.local @!p0 [hbm:s6], $0xF7A  }
0x23: {  	s9 =	sor.u32 $0xD0000000, s2;
	s6 =	simm.s32 $0x108;
	_ =	swait.ge @!p0 [sflag:s8], $0x0  }
0x24: {  	s3 =	sadd.s32 $0x88, s3;
	s6 =	simm.s32 @!p1 $0x1082;
	[sflag:s4] =	ssyncset.s32 $0xFFFFF086  }
0x25: {  	[simem:s6], [sflag:s4] =	dma.local [hbm:s3], $0xF7A  }
0x26: {  	[smem:$0x3F9E] =	sst s1;
	(tag) =	ssettag s2;
	_ =	strace s9  }
0x27: {  	s1 =	sld [smem:$0x3FAE]  }
0x28: {  	s2 =	sld [smem:$0x3FAF]  }
0x29: {  	s4 =	sld [smem:$0x3FB1]  }
0x2a: {  	p0 =	seq.s32 s5, $0x0;
	s5 =	sld [smem:$0x3FB2]  }
0x2b: {  	s6 =	sld [smem:$0x3FB3]  }
0x2c: {  	s7 =	sld [smem:$0x3FB4]  }
0x2d: {  	s3 =	simm.s32 $0x108;
	s8 =	sld [smem:$0x3FB5]  }
0x2e: {  	s3 =	simm.s32 @!p0 $0x1082;
	s9 =	sld [smem:$0x3FB6]  }
0x2f: {  	lr =	sadd.s32 s0, s3;
	s0 =	sld [smem:$0x3FAD]  }
0x30: {  	s3 =	sld [smem:$0x3FB0]  }
0x31: {  	[smem:$0x3FB9] =	sst s10  }
0x32: {  	s10 =	sld [smem:$0x3FB7];
	_ =	sdelay $0x3  }
0x33: {  	p0 =	seq.s32 s10, $0x1;
	s10 =	sld [smem:$0x3FB9];
	_ =	sdelay $0x3  }
0x34: {  	[smem:$0x3FB9] =	sst s10  }
0x35: {  	s10 =	sld [smem:$0x3FB8];
	_ =	sdelay $0x3  }
0x36: {  	p1 =	seq.s32 s10, $0x1;
	s10 =	sld [smem:$0x3FB9];
	_ =	sdelay $0x3  }
0x37: {  	[smem:$0x3FB9] =	sst s10  }
0x38: {  	s10 =	sld [smem:$0x3FBA]  }
0x39: {  	_ = 	snop;
	(pc) =	sbr.ind lr, $3  }
0x3a: {  	_ = 	snop  }
0x3b: {  	_ = 	snop  }
0x3c: {  	p2 =	seq.s32 s10, $0x1;
	s10 =	sld [smem:$0x3FB9]  }
0x3d: {  	_ =	shalt  }
0x3e: {  	_ =	shalt  }
0x3f: {  	_ =	shalt  }
0x40: {  	_ =	shalt  }
0x41: {  	_ =	shalt  }
0x42: {  	_ =	shalt  }
0x43: {  	_ =	shalt  }
0x44: {  	_ =	shalt  }
0x45: {  	_ =	shalt  }
0x46: {  	_ =	shalt  }
0x47: {  	_ =	shalt  }
0x48: {  	_ =	shalt  }
0x49: {  	_ =	shalt  }
0x4a: {  	_ =	shalt  }
0x4b: {  	_ =	shalt  }
0x4c: {  	_ =	shalt  }
0x4d: {  	_ =	shalt  }
0x4e: {  	_ =	shalt  }
0x4f: {  	_ =	shalt  }
0x50: {  	_ =	shalt  }
0x51: {  	_ =	shalt  }
0x52: {  	_ =	shalt  }
0x53: {  	_ =	shalt  }
0x54: {  	_ =	shalt  }
0x55: {  	_ =	shalt  }
0x56: {  	_ =	shalt  }
0x57: {  	_ =	shalt  }
0x58: {  	_ =	shalt  }
0x59: {  	_ =	shalt  }
0x5a: {  	_ =	shalt  }
0x5b: {  	_ =	shalt  }
0x5c: {  	_ =	shalt  }
0x5d: {  	_ =	shalt  }
0x5e: {  	_ =	shalt  }
0x5f: {  	_ =	shalt  }
0x60: {  	_ =	shalt  }
0x61: {  	_ =	shalt  }
0x62: {  	_ =	shalt  }
0x63: {  	_ =	shalt  }
0x64: {  	_ =	shalt  }
0x65: {  	_ =	shalt  }
0x66: {  	_ =	shalt  }
0x67: {  	_ =	shalt  }
0x68: {  	_ =	shalt  }
0x69: {  	_ =	shalt  }
0x6a: {  	_ =	shalt  }
0x6b: {  	_ =	shalt  }
0x6c: {  	_ =	shalt  }
0x6d: {  	_ =	shalt  }
0x6e: {  	_ =	shalt  }
0x6f: {  	_ =	shalt  }
0x70: {  	_ =	shalt  }
0x71: {  	_ =	shalt  }
0x72: {  	_ =	shalt  }
0x73: {  	_ =	shalt  }
0x74: {  	_ =	shalt  }
0x75: {  	_ =	shalt  }
0x76: {  	_ =	shalt  }
0x77: {  	_ =	shalt  }
0x78: {  	_ =	shalt  }
0x79: {  	_ =	shalt  }
0x7a: {  	_ =	shalt  }
0x7b: {  	_ =	shalt  }
0x7c: {  	_ =	shalt  }
0x7d: {  	_ =	shalt  }
0x7e: {  	_ =	shalt  }
0x7f: {  	_ =	shalt  }
0x80: {  	_ =	shalt  }
0x81: {  	_ =	shalt  }
0x82: {  	_ =	shalt  }
0x83: {  	_ =	shalt  }
0x84: {  	_ =	shalt  }
0x85: {  	_ =	shalt  }
0x86: {  	_ =	shalt  }
0x87: {  	_ =	shalt  }
.Lfunc_end0:
.L_simem_size_0:
called_computation_lowered:
.L_overlay_start_0:
0x88: {  	s2 =	sld [smem:$0x3FD9]  }
0x89: {  	s3 =	sld [smem:$0x3FFE];
	_ =	sdelay $0x1  }
0x8a: {  	s1 =	srdreg.scid  }
0x8b: {  	s0 =	sand.u32 $0x1, s1  }
0x8c: {  	s18 =	sshll.u32 s0, $0xA;
	s2 =	sadd.s32 s3, s2  }
0x8d: {  	s2 =	sadd.s32 s2, s18  }
0x8e: {  	[smem:$0x3FC5] =	sst s2  }
0x8f: {  	_ = 	snop  }
0x90: {  	s2 =	sld [smem:$0x3FC9]  }
0x91: {  	s19 =	sld [smem:$0x3FC8]  }
0x92: {  	s4 =	sld [smem:$0x3FC7]  }
0x93: {  	s5 =	sld [smem:$0x3FD0];
	(tm) =	ssettm $0x1  }
0x94: {  	s6 =	sld [smem:$0x3FFB];
	_ =	sdelay $0x3  }
0x95: {  	_ =	strace s6  }
0x96: {  	s6 =	sld [smem:$0x3FFC];
	_ =	sdelay $0x3  }
0x97: {  	_ =	strace s6  }
0x98: {  	s6 =	sld [smem:$0x3FFD];
	_ =	sdelay $0x3  }
0x99: {  	_ =	strace s6  }
0x9a: {  	_ =	strace $0x8FFFFFFF  }
0x9b: {  	s20 =	sld [smem:$0x3FDB];
	_ =	sdelay $0x1  }
0x9c: {  	s7 =	simm.s32 $_scs_section_size  }
0x9d: {  	s8 =	simm.s32 $_size__tile_overlayer_lowered;
	s9 =	simm.s32 $_tile_overlayer_lowered  }
0x9e: {  	s23 =	simm.s32 $0x1BFF;
	s22 =	sshll.u32 s9, $0x1;
	s6 =	sadd.s32 s7, s20  }
0x9f: {  	s10 =	simm.s32 $0x0;
	s21 =	sshll.u32 s8, $0x1;
	s8 =	sadd.s32 s22, s6  }
0xa0: {  	[timem:s10], [sflag:s23] =	dma.local [hbm:s8], s21  }
0xa1: {  	_ =	swait.ge [sflag:s23], s21  }
0xa2: {  	s7 =	ssub.s32 $0x0, s21;
	[sflag:s23] =	ssyncset.done $0x0  }
0xa3: {  	[sflag:s23] =	ssyncadd.s32 s7;
	_ =	sdelay $0x1  }
0xa4: {  	s24 =	simm.s32 $0x1B8B  }
0xa5: {  	_ =	swait.ge [sflag:s24], $0x1  }
0xa6: {  	[sflag:s24] =	ssyncset.done $0x0  }
0xa7: {  	s25 =	simm.s32 $0x1B8E;
	[sflag:s24] =	ssyncadd.s32 $0xFFFFFFFF  }
0xa8: {  	s26 =	simm.s32 $execute0_lowered;
	[smem:$0x3FD2] =	sst s25  }
0xa9: {  	s7 =	sshll.u32 s26, $0x1;
	_ =	strace $0x80000046;
	[dreg:$0x1] =	wrdreg $0xFFFFFFFF  }
0xaa: {  	s28 =	simm.s32 $_size_execute0_lowered;
	s6 =	sadd.s32 s6, s7;
	[dreg:$0x0] =	wrdreg $0x0  }
0xab: {  	s7 =	sshll.u32 s28, $0x1;
	[dreg:$0x2] =	wrdreg s6  }
0xac: {  	[dreg:$0x3] =	wrdreg s7  }
0xad: {  	[dreg:$0x4] =	wrdreg $0xC0  }
0xae: {  	_ =	task [dreg:s10], $0x5FFFF  }
0xaf: {  	[dreg:$0x1] =	wrdreg $0xFFFFFFFF  }
0xb0: {  	[dreg:$0x0] =	wrdreg $0x60  }
0xb1: {  	[dreg:$0x2] =	wrdreg s2  }
0xb2: {  	[dreg:$0x3] =	wrdreg s19  }
0xb3: {  	[dreg:$0x4] =	wrdreg s4  }
0xb4: {  	[dreg:$0x5] =	wrdreg s5  }
0xb5: {  	[dreg:$0x6] =	wrdreg $0x9  }
0xb6: {  	_ =	task.clear_ibuf [dreg:s10], $0x7FFFF;
	_ =	strace $0x90000046  }
0xb7: {  	s29 =	simm.s32 $0x9;
	_ =	strace $0x80000048  }
0xb8: {  	_ =	swait.ge [sflag:s29], $0x1  }
0xb9: {  	[sflag:s29] =	ssyncadd.s32 $0xFFFFFFFF  }
0xba: {  	_ =	strace $0x90000048  }
0xbb: {  	_ =	sfence  }
0xbc: {  	s30 =	sld [smem:$0x0];
	_ =	sdelay $0x2  }
0xbd: {  	s31 =	sshll.u32 s1, $0xD;
	s1 =	sshrl.u32 s1, $0x2  }
0xbe: {  	s3 =	sand.u32 $0x4000, s31;
	s1 =	sadd.s32 s1, s30  }
0xbf: {  	s0 =	sor.u32 s3, s0;
	s1 =	sshll.u32 s1, $0x11  }
0xc0: {  	s0 =	sor.u32 s1, s0  }
0xc1: {  	s0 =	sadd.s32 $0x8F2B, s0  }
0xc2: {  	[sflag:s0] =	ssyncadd.remote.s32 $0x1  }
0xc3: {  	_ =	sfence.sel $0xFFFF  }
0xc4: {  	[dreg:$0x0] =	wrdreg $0xFFFFFFFF;
	(pc) =	sbr.abs _section_cstart, $3  }
0xc5: {  	[dreg:$0x1] =	wrdreg $0xFFFFFFFF  }
0xc6: {  	_ =	task.clear_ibuf [dreg:s10], $0x2FFFF;
	_ =	strace $0x9FFFFFFF  }
0xc7: {  	(tm) =	ssettm $0x7FFFFFFF  }
tec
execute0_lowered:
.L_overlay_start_1:
0x0: {  	(tag) =	ssettag $0x1  }
0x1: {  	s6 =	rddreg [dreg:$0x0]  }
0x2: {  	s15 =	rddreg [dreg:$0x1]  }
0x3: {  	s2 =	rddreg [dreg:$0x2];
	s0 =	srdreg.scid  }
0x4: {  	s4 =	simm.s32 $0x0;
	s3 =	stileid.u32;
	s0 =	sand.u32 $0x1, s0  }
0x5: {  	s5 =	sshll.u32 s3, $0x11;
	s1 =	ssub.s32 $0x2, s0;
	s0 =	sshll.u32 s0, $0x10  }
0x6: {  	[smem:$0x7FF] =	sst s4;
	s3 =	sor.u32 s0, s5  }
0x7: {  	_ =	strace $0x80000047;
	s26 =	sadd.s32 s6, s3;
	[dreg:$0x5] =	wrdreg s3  }
0x8: {  	s17 =	simm.s32 $0x8000;
	s28 =	sadd.s32 s15, s3;
	[dreg:$0x6] =	wrdreg s26  }
0x9: {  	s20 =	simm.s32 $0xC000;
	s29 =	sadd.s32 s2, s3;
	[dreg:$0x7] =	wrdreg s28  }
0xa: {  	s8 =	sshrl.u32 s1, $0x1;
	s30 =	sor.u32 $0x800, s3;
	[dreg:$0x8] =	wrdreg s29  }
0xb: {  	s25 =	ssub.s32 s1, s8;
	s31 =	sor.u32 $0x1000, s3;
	[dreg:$0x9] =	wrdreg s30  }
0xc: {  	s21 =	simm.s32 $0x1;
	[dreg:$0xa] =	wrdreg s31;
	s0 =	smax.u32 s25, $0x1  }
0xd: {  	s23 =	simm.s32 $0x2;
	v0 =	vimm.s32 $0x0;
	v1 =	vlaneseq.u32;
	s2 =	simm.s32 $0x0;
	[dreg:$0xb] =	wrdreg s0  }
.LBB2_1:
0xe: {  	[dreg:$0xc] =	wrdreg s2  }
0xf: {  	s0 =	rddreg [dreg:$0x6];
	s1 =	simm.s32 $0x200;
	s28 =	simm.s32 $0x400  }
0x10: {  	[tilespmem:s4], [sflag:$0x1] =	stream.strided.gather [hbm4b:s0+s1], $0x2000, s28, s1, $0x38;
	[tilespmem:$0x11000] =	vst v63  }
0x11: {  	s30 =	rddreg [dreg:$0x7];
	s3 =	simm.s32 $0x4000  }
0x12: {  	[tilespmem:s3], [sflag:$0x1] =	stream.strided.gather [hbm4b:s30+s1], $0x2000, s28, s1, $0x38;
	[tilespmem:$0x11000] =	vst v63  }
0x13: {  	s31 =	rddreg [dreg:$0x8];
	s29 =	simm.s32 $0x0  }
0x14: {  	[tilespmem:s17], [sflag:$0x1] =	stream.linear.gather [hbm4b:s31+s4], $0x4000, $0x38;
	[tilespmem:$0x11000] =	vst v63  }
.LBB2_2:
0x15: {  	s31 =	sshll.u32 s29, $0xC;
	s0 =	rddreg [dreg:$0x9]  }
0x16: {  	s1 =	simm.s32 $0x200;
	s30 =	sadd.s32 s0, s31  }
0x17: {  	s2 =	simm.s32 $0x400;
	s3 =	simm.s32 $0x2000;
	s0 =	sadd.s32 s6, s30  }
0x18: {  	[tilespmem:s3], [sflag:$0x2] =	stream.strided.gather [hbm4b:s0+s1], $0x2000, s2, s1, $0x38;
	[tilespmem:$0x11000] =	vst v63  }
0x19: {  	s25 =	simm.s32 $0x6000;
	s26 =	rddreg [dreg:$0x2];
	s24 =	sadd.s32 s15, s30  }
0x1a: {  	[tilespmem:s25], [sflag:$0x2] =	stream.strided.gather [hbm4b:s24+s1], $0x2000, s2, s1, $0x38;
	[tilespmem:$0x11000] =	vst v63  }
0x1b: {  	s0 =	sadd.s32 s26, s30  }
0x1c: {  	[tilespmem:s20], [sflag:$0x2] =	stream.linear.gather [hbm4b:s0+s4], $0x4000, $0x38;
	[tilespmem:$0x11000] =	vst v63  }
0x1d: {  	_ =	swait.ge [sflag:s21], $0x2000  }
0x1e: {  	[sflag:s21] =	ssyncset.done $0x0  }
0x1f: {  	[sflag:s21] =	ssyncadd.s32 $0xFFFFE000  }
0x20: {  	_ =	swait.ge [sflag:s21], $0x2000  }
0x21: {  	[sflag:s21] =	ssyncset.done $0x0  }
0x22: {  	[sflag:s21] =	ssyncadd.s32 $0xFFFFE000  }
0x23: {  	_ =	swait.ge [sflag:s21], $0x4000  }
0x24: {  	p0 =	seq.s32 s29, $0x0;
	[sflag:s21] =	ssyncset.done $0x0  }
0x25: {  	s1 =	simm.s32 @!p0 $0x3;
	[sflag:s21] =	ssyncadd.s32 $0xFFFFC000  }
0x26: {  	s8 =	simm.s32 $0x0;
	s28 =	simm.s32 $0x30;
	_ =	swait.ge @!p0 [sflag:s1], $0x800  }
0x27: {  	s5 =	sand.u32 $0x1E00, s8;
	s9 =	sand.u32 $0x70, s28;
	[sflag:s1] =	ssyncset.done @!p0 $0x0  }
0x28: {  	s9 =	sor.u32 s5, s9;
	s2 =	sand.u32 $0x7, s8;
	[sflag:s1] =	ssyncadd.s32 @!p0 $0xFFFFF800  }
0x29: {  	s1 =	sshll.u32 s2, $0x4;
	v2 =	vld [tilespmem:s9+$0x0]  }
0x2a: {  	s1 =	sadd.s32 $0x0, s1;
	v3 =	vld [tilespmem:s9+$0x80]  }
0x2b: {  	v4 =	vld [tilespmem:s9+$0x4000];
	s10 =	sadd.s32 $0x30, s1  }
0x2c: {  	v5 =	vld [tilespmem:s9+$0x4080];
	s13 =	sor.u32 $0x100, s10  }
0x2d: {  	s3 =	sor.u32 $0x180, s10;
	v6 =	vld [tilespmem:s13+$0x0]  }
0x2e: {  	v7 =	vld [tilespmem:s3+$0x0]  }
0x2f: {  	s4 =	sand.u32 $0x3, s8;
	s1 =	sadd.s32 $0x10, s1;
	v8 =	vld [tilespmem:s13+$0x4000]  }
0x30: {  	s11 =	sshll.u32 s4, $0x5;
	s7 =	sor.u32 $0x100, s1;
	s1 =	sor.u32 $0x180, s1;
	v9 =	vld [tilespmem:s3+$0x4000]  }
0x31: {  	s9 =	sadd.s32 $0x0, s11;
	v11 =	vld [tilespmem:s1+$0x0]  }
0x32: {  	p1 =	por $0x0, $0x0;
	s22 =	simm.s32 $0x20;
	s9 =	sadd.s32 $0x20, s9;
	v12 =	vld [tilespmem:s7+$0x4000]  }
0x33: {  	s10 =	simm.s32 $0x1;
	s12 =	sor.u32 $0x100, s9;
	v13 =	vld [tilespmem:s1+$0x4000];
	s1 =	sand.u32 $0x60, s22  }
0x34: {  	s18 =	simm.s32 $0x10;
	s10 =	simm.s32 @!p1 $0x0;
	v14 =	vld [tilespmem:s12+$0x0];
	s1 =	sor.u32 s5, s1  }
0x35: {  	v15 =	vmov s8;
	v18 =	vor.u32 s18, v1;
	s16 =	sshll.u32 s10, $0x6;
	v27 =	vld [tilespmem:s1+$0x0]  }
0x36: {  	v19 =	vor.u32 s8, v1;
	v20 =	vor.u32 s22, v1;
	v30 =	vmov s28;
	s14 =	sor.u32 $0x180, s9;
	s9 =	sadd.s32 $0x0, s16;
	s16 =	sand.u32 $0x50, s18;
	v28 =	vld [tilespmem:s1+$0x80]  }
0x37: {  	v63 =	vor.u32 s28, v1;
	v15 =	vshll.u32 v15, $0x3;
	v18 =	vand.u32 $0x5F, v18;
	v29 =	vld [tilespmem:s1+$0x4000];
	s24 =	sor.u32 s5, s16  }
0x38: {  	v19 =	vand.u32 $0x4F, v19;
	v20 =	vand.u32 $0x6F, v20;
	v30 =	vshll.u32 v30, $0x3;
	s8 =	sand.u32 $0x40, s8;
	v23 =	vld [tilespmem:s24+$0x4000]  }
0x39: {  	v15 =	vand.u32 $0x3C00, v15;
	s5 =	sor.u32 s8, s5;
	v26 =	vld [tilespmem:s24+$0x4080];
	v4 =	vadd.f32 v8, v4;
	v2 =	vadd.f32 v6, v2  }
0x3a: {  	s16 =	simm.s32 $0x40;
	v31 =	vld [tilespmem:s5+$0x0];
	v5 =	vadd.f32 v9, v5;
	v3 =	vadd.f32 v7, v3;
	v8 =	vmov s18  }
0x3b: {  	v39 =	vmov s16;
	v44 =	vor.u32 s16, v1;
	v7 =	vld [tilespmem:s12+$0x4000];
	s12 =	simm.s32 $0x60;
	v8 =	vshll.u32 v8, $0x3  }
0x3c: {  	s19 =	sor.u32 $0x100, s9;
	v6 =	vld [tilespmem:s14+$0x0];
	v41 =	vmov s12;
	v2 =	vsub.f32 v4, v2;
	v3 =	vsub.f32 v5, v3  }
0x3d: {  	v45 =	vor.u32 s12, v1;
	v4 =	vld [tilespmem:s19+$0x0];
	v5 =	vmov s22;
	v8 =	vand.u32 $0x3C00, v8  }
0x3e: {  	v10 =	vld [tilespmem:s7+$0x0];
	v5 =	vshll.u32 v5, $0x3;
	v2 =	vmul.f32 v2, v2;
	v3 =	vmul.f32 v3, v3  }
0x3f: {  	s9 =	sor.u32 $0x180, s9;
	v14 =	vadd.f32 v14, v27;
	v22 =	vand.u32 $0x3C00, v5;
	v5 =	vld [tilespmem:s24+$0x80];
	v12 =	vadd.f32 v12, v23  }
0x40: {  	v16 =	vld [tilespmem:s9+$0x0];
	v43 =	vshll.u32 v41, $0x3;
	v13 =	vadd.f32 v13, v26;
	v2 =	vadd.f32 v3, v2  }
0x41: {  	v32 =	vld [tilespmem:s5+$0x80];
	v8 =	vor.u32 v8, v18;
	v7 =	vadd.f32 v7, v29;
	v6 =	vadd.f32 v6, v28  }
0x42: {  	v33 =	vld [tilespmem:s5+$0x4000];
	v4 =	vadd.f32 v4, v31;
	vm0 =	vge.f32 v2, $6.250000000e-02;
	vm1 =	vge.f32 v2, $2.500000000e-01  }
0x43: {  	v34 =	vld [tilespmem:s5+$0x4080];
	v7 =	vsub.f32 v7, v14;
	v24 =	vsel vm0, $0x1, v0;
	v25 =	vsel vm1, $0x1, v0  }
0x44: {  	s4 =	simm.s32 $0x2;
	s5 =	simm.s32 $0x4;
	v3 =	vld [tilespmem:s24+$0x0];
	vm0 =	vge.f32 v2, $5.625000000e-01;
	v11 =	vadd.f32 v11, v5;
	v24 =	vadd.s32 v25, v24  }
0x45: {  	s0 =	simm.s32 $0x100;
	s13 =	sand.u32 $0x3, s4;
	v17 =	vld [tilespmem:s19+$0x4000];
	s26 =	sand.u32 $0x7, s5;
	v58 =	vsel vm0, $0x1, v0;
	vm0 =	vge.f32 v2, $1.000000000e+00;
	v25 =	vand.u32 $0x7F, v63  }
0x46: {  	s11 =	simm.s32 $0x50;
	s7 =	sshll.u32 s13, $0x5;
	v21 =	vld [tilespmem:s9+$0x4000];
	s10 =	sshll.u32 s26, $0x4;
	v24 =	vadd.s32 v58, v24;
	v59 =	vsel vm0, $0x1, v0;
	vm0 =	vge.f32 v2, $1.562500000e+00  }
0x47: {  	s13 =	sand.u32 $0x50, s11;
	s9 =	sand.u32 $0x1E00, s0;
	v9 =	vld [tilespmem:s14+$0x4000];
	s10 =	sadd.s32 $0x100, s10;
	v24 =	vadd.s32 v59, v24;
	v60 =	vsel vm0, $0x1, v0;
	vm0 =	vge.f32 v2, $2.250000000e+00  }
0x48: {  	s26 =	sor.u32 s9, s13;
	s28 =	sadd.s32 $0x30, s10;
	s10 =	sadd.s32 $0x10, s10;
	v24 =	vadd.s32 v60, v24;
	v61 =	vsel vm0, $0x1, v0;
	vm0 =	vge.f32 v2, $3.062500000e+00;
	v2 =	vld [tilespmem:s1+$0x4080]  }
0x49: {  	s8 =	simm.s32 $0x70;
	v53 =	vld [tilespmem:s26+$0x4000];
	s18 =	sor.u32 $0x100, s10;
	v3 =	vadd.f32 v10, v3;
	v24 =	vadd.s32 v61, v24;
	v62 =	vsel vm0, $0x1, v0  }
0x4a: {  	v40 =	vld [tilespmem:s18+$0x4000];
	v10 =	vand.u32 $0x3C00, v30;
	v59 =	vor.u32 s8, v1;
	v24 =	vadd.s32 v62, v24  }
0x4b: {  	v3 =	vsub.f32 v12, v3;
	v12 =	vadd.f32 v21, v34;
	v5 =	vshll.u32 v24, $0x7  }
0x4c: {  	v21 =	vand.u32 $0x4F, v44;
	v31 =	vand.u32 $0x7F, v59;
	v5 =	vand.u32 $0x380, v5  }
0x4d: {  	s10 =	sor.u32 $0x180, s10;
	v2 =	vadd.f32 v9, v2;
	v9 =	vor.u32 v10, v25;
	v10 =	vsub.f32 v13, v11  }
0x4e: {  	v42 =	vld [tilespmem:s10+$0x4000];
	v11 =	vadd.f32 v17, v33;
	v5 =	vor.u32 v5, v9;
	v9 =	vadd.f32 v16, v32  }
0x4f: {  	v3 =	vmul.f32 v3, v3;
	v24 =	vadd.f32 v40, v53;
	v33 =	vld [tilespmem:s26+$0x4080];
	v2 =	vsub.f32 v2, v6  }
0x50: {  	v10 =	vmul.f32 v10, v10;
	v4 =	vsub.f32 v11, v4;
	v6 =	vsub.f32 v12, v9  }
0x51: {  	v9 =	vmul.f32 v7, v7;
	v7 =	vor.u32 v22, v20;
	v20 =	vand.u32 $0x3C00, v43  }
0x52: {  	v22 =	vand.u32 $0x6F, v45;
	v3 =	vadd.f32 v10, v3;
	v2 =	vmul.f32 v2, v2  }
0x53: {  	v4 =	vmul.f32 v4, v4;
	v10 =	vmul.f32 v6, v6;
	v6 =	vor.u32 v15, v19  }
0x54: {  	v26 =	vadd.f32 v42, v33;
	vm0 =	vge.f32 v3, $6.250000000e-02;
	v2 =	vadd.f32 v2, v9  }
0x55: {  	vm1 =	vge.f32 v3, $2.500000000e-01;
	v4 =	vadd.f32 v10, v4;
	v9 =	vsel vm0, $0x1, v0  }
0x56: {  	v10 =	vsel vm1, $0x1, v0;
	vm0 =	vge.f32 v3, $5.625000000e-01;
	vm1 =	vge.f32 v2, $6.250000000e-02  }
0x57: {  	vm2 =	vge.f32 v2, $2.500000000e-01;
	v9 =	vadd.s32 v10, v9;
	vm3 =	vge.f32 v4, $6.250000000e-02  }
0x58: {  	vm4 =	vge.f32 v4, $2.500000000e-01;
	v11 =	vsel vm1, $0x1, v0;
	v14 =	vsel vm2, $0x1, v0  }
0x59: {  	vm1 =	vge.f32 v4, $5.625000000e-01;
	vm2 =	vge.f32 v2, $5.625000000e-01;
	v12 =	vsel vm3, $0x1, v0  }
0x5a: {  	v13 =	vsel vm4, $0x1, v0;
	v11 =	vadd.s32 v14, v11;
	v14 =	vsel vm2, $0x1, v0  }
0x5b: {  	vm2 =	vge.f32 v2, $1.000000000e+00;
	v10 =	vadd.s32 v13, v12;
	v12 =	vsel vm0, $0x1, v0  }
0x5c: {  	v13 =	vsel vm1, $0x1, v0;
	vm0 =	vge.f32 v3, $1.000000000e+00;
	vm1 =	vge.f32 v4, $1.000000000e+00  }
0x5d: {  	s25 =	sand.u32 $0x70, s8;
	s3 =	sor.u32 $0x180, s28;
	v11 =	vadd.s32 v14, v11;
	v15 =	vsel vm2, $0x1, v0;
	vm2 =	vge.f32 v2, $1.562500000e+00  }
0x5e: {  	v36 =	vld [tilespmem:s3+$0x4000];
	s1 =	sor.u32 s9, s25;
	v9 =	vadd.s32 v12, v9;
	v10 =	vadd.s32 v13, v10;
	v12 =	vsel vm0, $0x1, v0  }
0x5f: {  	s2 =	sor.u32 $0x100, s28;
	v16 =	vld [tilespmem:s1+$0x80];
	v14 =	vsel vm1, $0x1, v0;
	vm0 =	vge.f32 v3, $1.562500000e+00;
	vm1 =	vge.f32 v4, $1.562500000e+00  }
0x60: {  	v19 =	vld [tilespmem:s2+$0x0];
	v11 =	vadd.s32 v15, v11;
	v18 =	vsel vm2, $0x1, v0;
	vm2 =	vge.f32 v2, $2.250000000e+00  }
0x61: {  	v13 =	vld [tilespmem:s1+$0x0];
	v9 =	vadd.s32 v12, v9;
	v10 =	vadd.s32 v14, v10;
	v14 =	vsel vm0, $0x1, v0  }
0x62: {  	v15 =	vld [tilespmem:s1+$0x4080];
	v17 =	vsel vm1, $0x1, v0;
	vm0 =	vge.f32 v3, $2.250000000e+00;
	vm1 =	vge.f32 v4, $2.250000000e+00  }
0x63: {  	v12 =	vld [tilespmem:s1+$0x4000];
	v11 =	vadd.s32 v18, v11;
	v9 =	vadd.s32 v14, v9;
	v10 =	vadd.s32 v17, v10  }
0x64: {  	v18 =	vld [tilespmem:s2+$0x4000];
	v17 =	vsel vm0, $0x1, v0;
	v35 =	vsel vm1, $0x1, v0;
	vm0 =	vge.f32 v3, $3.062500000e+00  }
0x65: {  	v14 =	vld [tilespmem:s3+$0x0];
	v3 =	vsel vm2, $0x1, v0;
	vm1 =	vge.f32 v4, $3.062500000e+00;
	vm2 =	vge.f32 v2, $3.062500000e+00  }
0x66: {  	v50 =	vld [tilespmem:s26+$0x80];
	v4 =	vadd.s32 v17, v9;
	v9 =	vadd.s32 v35, v10;
	v10 =	vsel vm0, $0x1, v0  }
0x67: {  	s1 =	sand.u32 $0x60, s12;
	v2 =	vld [tilespmem:s18+$0x0];
	v3 =	vadd.s32 v3, v11;
	v17 =	vmov s11;
	v38 =	vsel vm2, $0x1, v0  }
0x68: {  	s1 =	sor.u32 s9, s1;
	v11 =	vld [tilespmem:s10+$0x0];
	v37 =	vsel vm1, $0x1, v0;
	v4 =	vadd.s32 v10, v4;
	v3 =	vadd.s32 v38, v3  }
0x69: {  	s28 =	sand.u32 $0x40, s16;
	v34 =	vld [tilespmem:s1+$0x0];
	v9 =	vadd.s32 v37, v9;
	v15 =	vadd.f32 v36, v15;
	v10 =	vadd.f32 v18, v12  }
0x6a: {  	s9 =	sor.u32 s28, s9;
	v35 =	vld [tilespmem:s1+$0x80];
	v17 =	vshll.u32 v17, $0x3;
	v12 =	vadd.f32 v19, v13;
	v14 =	vadd.f32 v14, v16  }
0x6b: {  	v60 =	vld [tilespmem:s9+$0x80];
	v4 =	vshll.u32 v4, $0x7;
	v3 =	vshll.u32 v3, $0x7;
	v17 =	vand.u32 $0x3C00, v17  }
0x6c: {  	v61 =	vld [tilespmem:s9+$0x4000];
	v9 =	vshll.u32 v9, $0x7;
	v10 =	vsub.f32 v10, v12;
	v12 =	vsub.f32 v15, v14  }
0x6d: {  	v36 =	vmov s8;
	v18 =	vshll.u32 v39, $0x3;
	v49 =	vand.u32 $0x380, v4;
	v4 =	vld [tilespmem:s26+$0x0]  }
0x6e: {  	s19 =	sadd.s32 $0x100, s7;
	v62 =	vld [tilespmem:s9+$0x4080];
	v36 =	vshll.u32 v36, $0x3;
	v10 =	vmul.f32 v10, v10;
	v12 =	vmul.f32 v12, v12  }
0x6f: {  	p1 =	por !p1, !p1;
	s19 =	sadd.s32 $0x20, s19;
	s18 =	simm.s32 $0x1;
	v37 =	vld [tilespmem:s1+$0x4080];
	v9 =	vand.u32 $0x380, v9;
	v18 =	vand.u32 $0x3C00, v18;
	v36 =	vand.u32 $0x3C00, v36  }
0x70: {  	s14 =	sor.u32 $0x100, s19;
	s18 =	simm.s32 @!p1 $0x0;
	v38 =	vld [tilespmem:s9+$0x0];
	v8 =	vor.u32 v49, v8;
	v15 =	vor.u32 s11, v1;
	v10 =	vadd.f32 v12, v10  }
0x71: {  	s24 =	sor.u32 $0x180, s19;
	s22 =	sshll.u32 s18, $0x6;
	v13 =	vld [tilespmem:s14+$0x0];
	v31 =	vor.u32 v36, v31;
	v11 =	vadd.f32 v11, v50;
	v15 =	vand.u32 $0x5F, v15  }
0x72: {  	s10 =	sadd.s32 $0x100, s22;
	v19 =	vld [tilespmem:s24+$0x0];
	v4 =	vadd.f32 v2, v4;
	vm0 =	vge.f32 v10, $6.250000000e-02;
	vm1 =	vge.f32 v10, $2.500000000e-01  }
0x73: {  	s25 =	sor.u32 $0x100, s10;
	v16 =	vld [tilespmem:s14+$0x4000];
	v51 =	vsel vm0, $0x1, v0;
	v52 =	vsel vm1, $0x1, v0;
	vm0 =	vge.f32 v10, $5.625000000e-01  }
0x74: {  	v46 =	vld [tilespmem:s25+$0x0];
	v30 =	vadd.s32 v52, v51;
	v54 =	vsel vm0, $0x1, v0;
	vm0 =	vge.f32 v10, $1.000000000e+00  }
0x75: {  	v47 =	vld [tilespmem:s25+$0x4000];
	v30 =	vadd.s32 v54, v30;
	v55 =	vsel vm0, $0x1, v0;
	vm0 =	vge.f32 v10, $1.562500000e+00  }
0x76: {  	s10 =	sor.u32 $0x180, s10;
	v14 =	vld [tilespmem:s24+$0x4000];
	v30 =	vadd.s32 v55, v30;
	v56 =	vsel vm0, $0x1, v0;
	vm0 =	vge.f32 v10, $2.250000000e+00  }
0x77: {  	v12 =	vld [tilespmem:s10+$0x4000];
	v30 =	vadd.s32 v56, v30;
	v57 =	vsel vm0, $0x1, v0;
	vm0 =	vge.f32 v10, $3.062500000e+00  }
0x78: {  	v10 =	vand.u32 $0x380, v3;
	v3 =	vld [tilespmem:s1+$0x4000];
	v30 =	vadd.s32 v57, v30;
	v58 =	vsel vm0, $0x1, v0  }
0x79: {  	v48 =	vld [tilespmem:s10+$0x0];
	v11 =	vsub.f32 v26, v11;
	v13 =	vadd.f32 v13, v34;
	v30 =	vadd.s32 v58, v30  }
0x7a: {  	v2 =	vor.u32 v20, v22;
	v63 =	vsub.f32 v24, v4;
	v30 =	vshll.u32 v30, $0x7  }
0x7b: {  	v4 =	vor.u32 v18, v21;
	v18 =	vadd.f32 v47, v61;
	v30 =	vand.u32 $0x380, v30  }
0x7c: {  	v14 =	vadd.f32 v14, v37;
	v12 =	vadd.f32 v12, v62;
	v30 =	vor.u32 v30, v31  }
0x7d: {  	v16 =	vadd.f32 v16, v3;
	v3 =	vor.u32 v17, v15;
	v17 =	vadd.f32 v19, v35  }
0x7e: {  	v11 =	vmul.f32 v11, v11;
	v15 =	vadd.f32 v46, v38;
	v19 =	vadd.f32 v48, v60  }
0x7f: {  	v13 =	vsub.f32 v16, v13;
	v16 =	vmul.f32 v63, v63;
	v14 =	vsub.f32 v14, v17  }
0x80: {  	v10 =	vor.u32 v10, v7;
	v15 =	vsub.f32 v18, v15;
	v12 =	vsub.f32 v12, v19  }
0x81: {  	v17 =	vld.idx.msk [tilespmem:v5+s17+$0x0], $0xffff;
	v13 =	vmul.f32 v13, v13;
	v5 =	vadd.f32 v11, v16;
	v7 =	vmul.f32 v14, v14  }
0x82: {  	v18 =	vor.u32 v9, v6;
	v11 =	vmul.f32 v15, v15;
	v12 =	vmul.f32 v12, v12;
	v14 =	vld.idx.msk [tilespmem:v30+s17+$0x0], $0xffff  }
0x83: {  	vm0 =	vge.f32 v5, $6.250000000e-02;
	vm1 =	vge.f32 v5, $2.500000000e-01;
	v6 =	vadd.f32 v7, v13  }
0x84: {  	v9 =	vld.idx.msk [tilespmem:v8+s17+$0x0], $0xffff;
	v7 =	vadd.f32 v12, v11;
	v11 =	vsel vm0, $0x1, v0;
	v12 =	vsel vm1, $0x1, v0  }
0x85: {  	s8 =	simm.s32 $0x0;
	vm0 =	vge.f32 v5, $5.625000000e-01;
	vm1 =	vge.f32 v6, $6.250000000e-02;
	vm2 =	vge.f32 v6, $2.500000000e-01  }
0x86: {  	s13 =	simm.s32 $0x40;
	v8 =	vld.idx.msk [tilespmem:v10+s17+$0x0], $0xffff;
	[tilespmem:s8+$0x10030] =	vst v17;
	vm3 =	vge.f32 v7, $6.250000000e-02;
	vm15 =	vge.f32 v7, $2.500000000e-01;
	v13 =	vsel vm1, $0x1, v0  }
0x87: {  	p1 =	por !p1, !p1;
	s9 =	simm.s32 $0x4;
	s10 =	simm.s32 $0x4;
	v10 =	vld.idx.msk [tilespmem:v18+s17+$0x0], $0xffff;
	v16 =	vsel vm15, $0x1, v0;
	v15 =	vsel vm2, $0x1, v0;
	[tilespmem:s13+$0x10030] =	vst v14;
	v14 =	vsel vm3, $0x1, v0  }
.LBB2_3:
0x88: {  	s18 =	simm.s32 $0x1  }
0x89: {  	s1 =	sand.u32 $0x3, s10;
	vm1 =	vge.f32 v7, $5.625000000e-01;
	v11 =	vadd.s32 v12, v11;
	vm2 =	vge.f32 v6, $5.625000000e-01;
	[tilespmem:s8+$0x10010] =	vst v9;
	s18 =	simm.s32 @!p1 $0x0  }
0x8a: {  	v9 =	vadd.s32 v16, v14;
	v12 =	vsel vm0, $0x1, v0;
	v13 =	vadd.s32 v15, v13;
	s16 =	sadd.s32 $0x40, s16;
	s1 =	sshll.u32 s1, $0x5;
	s22 =	sshll.u32 s18, $0x6  }
0x8b: {  	vm0 =	vge.f32 v5, $1.000000000e+00;
	s0 =	sadd.s32 $0x100, s0;
	s28 =	sadd.s32 $0x10, s16;
	s25 =	sadd.s32 $0x30, s16;
	v14 =	vsel vm1, $0x1, v0;
	v15 =	vsel vm2, $0x1, v0  }
0x8c: {  	s5 =	sadd.s32 $0x4, s5;
	vm1 =	vge.f32 v7, $1.000000000e+00;
	v11 =	vadd.s32 v12, v11;
	vm2 =	vge.f32 v6, $1.000000000e+00;
	s18 =	sand.u32 $0x1E00, s0;
	s19 =	sand.u32 $0x70, s25;
	[tilespmem:s8+$0x10020] =	vst v8  }
0x8d: {  	s24 =	sand.u32 $0x7, s5;
	s1 =	sadd.s32 s0, s1;
	v12 =	vadd.s32 v15, v13;
	s26 =	sor.u32 s18, s19;
	v8 =	vadd.s32 v14, v9;
	v9 =	vsel vm0, $0x1, v0  }
0x8e: {  	s24 =	sshll.u32 s24, $0x4;
	v15 =	vsel vm2, $0x1, v0;
	s19 =	sadd.s32 $0x20, s16;
	s1 =	sadd.s32 $0x20, s1;
	v14 =	vsel vm1, $0x1, v0;
	vm0 =	vge.f32 v5, $1.562500000e+00;
	v13 =	vld [tilespmem:s26+$0x0];
	[tilespmem:s8+$0x10000] =	vst v10  }
0x8f: {  	vm2 =	vge.f32 v6, $1.562500000e+00;
	s24 =	sadd.s32 s24, s0;
	vm1 =	vge.f32 v7, $1.562500000e+00;
	v9 =	vadd.s32 v9, v11;
	s8 =	sadd.s32 s22, s0;
	s22 =	sand.u32 $0x50, s28;
	v10 =	vld [tilespmem:s26+$0x80]  }
0x90: {  	s9 =	sadd.s32 $0x4, s9;
	v12 =	vadd.s32 v15, v12;
	s2 =	sadd.s32 $0x10, s24;
	s24 =	sadd.s32 $0x30, s24;
	v8 =	vadd.s32 v14, v8;
	v14 =	vsel vm0, $0x1, v0;
	v11 =	vld [tilespmem:s26+$0x4000]  }
0x91: {  	p2 =	slt.u32 s9, $0x7C;
	v17 =	vsel vm2, $0x1, v0;
	s3 =	sand.u32 $0x60, s19;
	s4 =	sor.u32 $0x100, s24;
	v16 =	vsel vm1, $0x1, v0;
	vm0 =	vge.f32 v5, $2.250000000e+00;
	v15 =	vld [tilespmem:s26+$0x4080]  }
0x92: {  	vm2 =	vge.f32 v6, $2.250000000e+00;
	s11 =	sor.u32 $0x100, s2;
	s12 =	sor.u32 $0x180, s24;
	vm1 =	vge.f32 v7, $2.250000000e+00;
	v9 =	vadd.s32 v14, v9;
	s26 =	sand.u32 $0x40, s16;
	v18 =	vld [tilespmem:s4+$0x0]  }
0x93: {  	s7 =	sor.u32 $0x100, s1;
	s14 =	sor.u32 $0x180, s1;
	v12 =	vadd.s32 v17, v12;
	s2 =	sor.u32 $0x180, s2;
	v8 =	vadd.s32 v16, v8;
	v16 =	vsel vm0, $0x1, v0;
	v14 =	vld [tilespmem:s12+$0x0]  }
0x94: {  	v19 =	vsel vm1, $0x1, v0;
	vm0 =	vge.f32 v5, $3.062500000e+00;
	v5 =	vsel vm2, $0x1, v0;
	s1 =	sor.u32 $0x100, s8;
	s24 =	sor.u32 $0x180, s8;
	s22 =	sor.u32 s18, s22;
	v17 =	vld [tilespmem:s4+$0x4000]  }
0x95: {  	vm1 =	vge.f32 v7, $3.062500000e+00;
	vm2 =	vge.f32 v6, $3.062500000e+00;
	v7 =	vadd.s32 v16, v9;
	s8 =	smov.u32 s13;
	s26 =	sor.u32 s26, s18;
	s18 =	sor.u32 s18, s3;
	v20 =	vld [tilespmem:s12+$0x4000]  }
0x96: {  	v8 =	vadd.s32 v19, v8;
	v9 =	vsel vm0, $0x1, v0;
	v5 =	vadd.s32 v5, v12;
	v6 =	vld [tilespmem:s11+$0x0]  }
0x97: {  	v16 =	vmov s28;
	v19 =	vsel vm1, $0x1, v0;
	v21 =	vsel vm2, $0x1, v0;
	v12 =	vld [tilespmem:s2+$0x0]  }
0x98: {  	v22 =	vmov s16;
	v24 =	vmov s19;
	v7 =	vadd.s32 v9, v7;
	v23 =	vld [tilespmem:s11+$0x4000]  }
0x99: {  	v5 =	vadd.s32 v21, v5;
	v13 =	vadd.f32 v18, v13;
	v9 =	vld [tilespmem:s2+$0x4000];
	v11 =	vadd.f32 v17, v11  }
0x9a: {  	v8 =	vadd.s32 v19, v8;
	v10 =	vadd.f32 v14, v10;
	v17 =	vld [tilespmem:s7+$0x0];
	v15 =	vadd.f32 v20, v15  }
0x9b: {  	v16 =	vshll.u32 v16, $0x3;
	v19 =	vshll.u32 v24, $0x3;
	v14 =	vshll.u32 v22, $0x3;
	v18 =	vld [tilespmem:s14+$0x0]  }
0x9c: {  	v20 =	vor.u32 s28, v1;
	v11 =	vsub.f32 v11, v13;
	v21 =	vld [tilespmem:s7+$0x4000];
	v10 =	vsub.f32 v15, v10  }
0x9d: {  	v7 =	vshll.u32 v7, $0x7;
	v22 =	vor.u32 s19, v1;
	v13 =	vor.u32 s16, v1;
	v15 =	vld [tilespmem:s14+$0x4000]  }
0x9e: {  	v5 =	vshll.u32 v5, $0x7;
	v11 =	vmul.f32 v11, v11;
	v24 =	vld [tilespmem:s1+$0x0];
	v10 =	vmul.f32 v10, v10  }
0x9f: {  	v16 =	vand.u32 $0x3C00, v16;
	v19 =	vand.u32 $0x3C00, v19;
	v8 =	vshll.u32 v8, $0x7;
	v25 =	vld [tilespmem:s24+$0x0]  }
0xa0: {  	v14 =	vand.u32 $0x3C00, v14;
	v20 =	vand.u32 $0x5F, v20;
	v26 =	vld [tilespmem:s1+$0x4000];
	v10 =	vadd.f32 v10, v11  }
0xa1: {  	v7 =	vand.u32 $0x380, v7;
	v22 =	vand.u32 $0x6F, v22;
	v13 =	vand.u32 $0x4F, v13;
	v11 =	vld [tilespmem:s24+$0x4000]  }
0xa2: {  	v5 =	vand.u32 $0x380, v5;
	v27 =	vld [tilespmem:s22+$0x0];
	vm0 =	vge.f32 v10, $6.250000000e-02;
	vm1 =	vge.f32 v10, $2.500000000e-01  }
0xa3: {  	v28 =	vld [tilespmem:s22+$0x80];
	v29 =	vsel vm0, $0x1, v0;
	v30 =	vsel vm1, $0x1, v0;
	vm0 =	vge.f32 v10, $5.625000000e-01  }
0xa4: {  	v31 =	vld [tilespmem:s22+$0x4000];
	v29 =	vadd.s32 v30, v29;
	v30 =	vsel vm0, $0x1, v0;
	vm0 =	vge.f32 v10, $1.000000000e+00  }
0xa5: {  	v32 =	vld [tilespmem:s22+$0x4080];
	v29 =	vadd.s32 v30, v29;
	v30 =	vsel vm0, $0x1, v0;
	vm0 =	vge.f32 v10, $1.562500000e+00  }
0xa6: {  	v33 =	vld [tilespmem:s18+$0x0];
	v29 =	vadd.s32 v30, v29;
	v30 =	vsel vm0, $0x1, v0;
	vm0 =	vge.f32 v10, $2.250000000e+00  }
0xa7: {  	v34 =	vld [tilespmem:s18+$0x80];
	v29 =	vadd.s32 v30, v29;
	v30 =	vsel vm0, $0x1, v0;
	vm0 =	vge.f32 v10, $3.062500000e+00  }
0xa8: {  	v35 =	vmov s25;
	v10 =	vld [tilespmem:s18+$0x4000];
	v29 =	vadd.s32 v30, v29;
	v30 =	vsel vm0, $0x1, v0  }
0xa9: {  	v35 =	vshll.u32 v35, $0x3;
	v36 =	vld [tilespmem:s18+$0x4080];
	v29 =	vadd.s32 v30, v29;
	v30 =	vor.u32 s25, v1  }
0xaa: {  	v35 =	vand.u32 $0x3C00, v35;
	v37 =	vld [tilespmem:s26+$0x0];
	v30 =	vand.u32 $0x7F, v30;
	v29 =	vshll.u32 v29, $0x7  }
0xab: {  	v23 =	vadd.f32 v23, v31;
	v38 =	vld [tilespmem:s26+$0x80];
	v29 =	vand.u32 $0x380, v29;
	v30 =	vor.u32 v35, v30  }
0xac: {  	v6 =	vadd.f32 v6, v27;
	v9 =	vadd.f32 v9, v32;
	v31 =	vld [tilespmem:s26+$0x4000];
	v27 =	vor.u32 v29, v30  }
0xad: {  	v8 =	vand.u32 $0x380, v8;
	v12 =	vadd.f32 v12, v28;
	v29 =	vld [tilespmem:s26+$0x4080];
	v10 =	vadd.f32 v21, v10  }
0xae: {  	v16 =	vor.u32 v16, v20;
	v17 =	vadd.f32 v17, v33;
	v15 =	vadd.f32 v15, v36  }
0xaf: {  	v19 =	vor.u32 v19, v22;
	v18 =	vadd.f32 v18, v34;
	v20 =	vadd.f32 v24, v37  }
0xb0: {  	v13 =	vor.u32 v14, v13;
	v6 =	vsub.f32 v23, v6;
	v21 =	vadd.f32 v25, v38  }
0xb1: {  	v7 =	vor.u32 v7, v3;
	v9 =	vsub.f32 v9, v12;
	v14 =	vadd.f32 v26, v31;
	v12 =	vld.idx.msk [tilespmem:v27+s17+$0x0], $0xffff  }
0xb2: {  	v3 =	vmovc v16;
	v6 =	vmul.f32 v6, v6;
	v10 =	vsub.f32 v10, v17;
	v11 =	vadd.f32 v11, v29  }
0xb3: {  	v9 =	vmul.f32 v9, v9;
	v15 =	vsub.f32 v15, v18;
	v14 =	vsub.f32 v14, v20  }
0xb4: {  	v16 =	vor.u32 v5, v2;
	v2 =	vmovc v19;
	v10 =	vmul.f32 v10, v10;
	v11 =	vsub.f32 v11, v21  }
0xb5: {  	v5 =	vadd.f32 v9, v6;
	v6 =	vmul.f32 v15, v15;
	v14 =	vmul.f32 v14, v14  }
0xb6: {  	s13 =	sshra.s32 s0, $0x2;
	v17 =	vor.u32 v8, v4;
	v4 =	vmov v13;
	v11 =	vmul.f32 v11, v11;
	v9 =	vld.idx.msk [tilespmem:v7+s17+$0x0], $0xffff  }
.Ltmp0:
0xb7: {  	vm0 =	vge.f32 v5, $6.250000000e-02;
	vm1 =	vge.f32 v5, $2.500000000e-01;
	v6 =	vadd.f32 v6, v10;
	[tilespmem:s13+$0x10030] =	vst v12;
	(pc) =	sbr.rel @p2 .LBB2_3-.Ltmp0, $4  }
0xb8: {  	v12 =	vsel vm1, $0x1, v0;
	v7 =	vadd.f32 v11, v14;
	v11 =	vsel vm0, $0x1, v0  }
0xb9: {  	vm2 =	vge.f32 v6, $2.500000000e-01;
	vm1 =	vge.f32 v6, $6.250000000e-02;
	vm0 =	vge.f32 v5, $5.625000000e-01;
	v8 =	vld.idx.msk [tilespmem:v16+s17+$0x0], $0xffff  }
0xba: {  	v13 =	vsel vm1, $0x1, v0;
	vm3 =	vge.f32 v7, $6.250000000e-02;
	vm4 =	vge.f32 v7, $2.500000000e-01  }
0xbb: {  	s10 =	sadd.s32 $0x2, s10;
	p1 =	por !p1, !p1;
	v15 =	vsel vm2, $0x1, v0;
	v14 =	vsel vm3, $0x1, v0;
	v16 =	vsel vm4, $0x1, v0;
	v10 =	vld.idx.msk [tilespmem:v17+s17+$0x0], $0xffff  }
0xbc: {  	vm1 =	vge.f32 v7, $5.625000000e-01  }
0xbd: {  	v11 =	vadd.s32 v12, v11;
	vm2 =	vge.f32 v6, $5.625000000e-01;
	v12 =	vadd.s32 v16, v14  }
0xbe: {  	v14 =	vsel vm0, $0x1, v0;
	v13 =	vadd.s32 v15, v13;
	vm0 =	vge.f32 v5, $1.000000000e+00  }
0xbf: {  	v15 =	vsel vm1, $0x1, v0;
	v16 =	vsel vm2, $0x1, v0;
	vm1 =	vge.f32 v7, $1.000000000e+00  }
0xc0: {  	v11 =	vadd.s32 v14, v11;
	vm2 =	vge.f32 v6, $1.000000000e+00;
	v14 =	vsel vm0, $0x1, v0  }
0xc1: {  	vm0 =	vge.f32 v5, $1.562500000e+00;
	v12 =	vadd.s32 v15, v12;
	v13 =	vadd.s32 v16, v13  }
0xc2: {  	v15 =	vsel vm1, $0x1, v0;
	v16 =	vsel vm2, $0x1, v0;
	vm1 =	vge.f32 v7, $1.562500000e+00  }
0xc3: {  	v11 =	vadd.s32 v14, v11;
	vm2 =	vge.f32 v6, $1.562500000e+00;
	v14 =	vsel vm0, $0x1, v0  }
0xc4: {  	vm0 =	vge.f32 v5, $2.250000000e+00;
	v12 =	vadd.s32 v15, v12;
	v13 =	vadd.s32 v16, v13  }
0xc5: {  	v15 =	vsel vm1, $0x1, v0;
	v16 =	vsel vm2, $0x1, v0;
	vm1 =	vge.f32 v7, $2.250000000e+00  }
0xc6: {  	v11 =	vadd.s32 v14, v11;
	vm2 =	vge.f32 v6, $2.250000000e+00;
	v14 =	vsel vm0, $0x1, v0  }
0xc7: {  	vm0 =	vge.f32 v5, $3.062500000e+00;
	v12 =	vadd.s32 v15, v12;
	v15 =	vsel vm1, $0x1, v0  }
0xc8: {  	vm1 =	vge.f32 v7, $3.062500000e+00;
	v7 =	vadd.s32 v14, v11;
	v11 =	vsel vm0, $0x1, v0  }
0xc9: {  	v13 =	vadd.s32 v16, v13;
	v5 =	vsel vm2, $0x1, v0;
	v7 =	vadd.s32 v11, v7  }
0xca: {  	vm2 =	vge.f32 v6, $3.062500000e+00;
	v6 =	vadd.s32 v15, v12;
	v7 =	vshll.u32 v7, $0x7  }
0xcb: {  	v5 =	vadd.s32 v5, v13;
	v12 =	vsel vm2, $0x1, v0;
	v7 =	vand.u32 $0x380, v7  }
0xcc: {  	v11 =	vsel vm1, $0x1, v0;
	v5 =	vadd.s32 v12, v5;
	v3 =	vor.u32 v7, v3  }
0xcd: {  	v6 =	vadd.s32 v11, v6;
	v5 =	vshll.u32 v5, $0x7  }
0xce: {  	v6 =	vshll.u32 v6, $0x7;
	v5 =	vand.u32 $0x380, v5  }
0xcf: {  	v6 =	vand.u32 $0x380, v6;
	v2 =	vor.u32 v5, v2  }
0xd0: {  	v4 =	vor.u32 v6, v4  }
0xd1: {  	v3 =	vld.idx.msk [tilespmem:v3+s17+$0x0], $0xffff;
	_ =	sdelay $0x1  }
0xd2: {  	[tilespmem:s8+$0x10010] =	vst v9  }
0xd3: {  	[tilespmem:s8+$0x10020] =	vst v8;
	v2 =	vld.idx.msk [tilespmem:v2+s17+$0x0], $0xffff  }
0xd4: {  	[tilespmem:s8+$0x10000] =	vst v10;
	v4 =	vld.idx.msk [tilespmem:v4+s17+$0x0], $0xffff  }
0xd5: {  	[tilespmem:s13+$0x10010] =	vst v3  }
0xd6: {  	s0 =	rddreg [dreg:$0x5]  }
0xd7: {  	s0 =	sor.u32 s0, s31  }
0xd8: {  	s1 =	rddreg [dreg:$0x3];
	[tilespmem:s13+$0x10020] =	vst v2;
	s0 =	sshrl.u32 s0, $0x3  }
0xd9: {  	s4 =	simm.s32 $0x0;
	s2 =	simm.s32 $0x10000;
	[tilespmem:s13+$0x10000] =	vst v4;
	s0 =	sadd.s32 s1, s0  }
0xda: {  	[hbm4b:s0+s4] =	stream.linear.scatter [tilespmem:s2], [sflag:$0x3], $0x800, $0x38;
	[tilespmem:$0x11000] =	vst v63  }
0xdb: {  	p1 =	seq.s32 s29, $0xF;
	s0 =	rddreg [dreg:$0xa]  }
0xdc: {  	s3 =	simm.s32 @!p1 $0x400;
	s0 =	sadd.s32 @!p1 s31, s0  }
0xdd: {  	s2 =	simm.s32 @!p1 $0x200;
	s4 =	simm.s32 @!p1 $0x0;
	s1 =	sadd.s32 @!p1 s6, s0  }
0xde: {  	[tilespmem:s4], [sflag:$0x1] =	stream.strided.gather @!p1 [hbm4b:s1+s2], $0x2000, s3, s2, $0x38;
	[tilespmem:$0x11000] =	vst v63  }
0xdf: {  	s5 =	simm.s32 @!p1 $0x4000;
	s1 =	sadd.s32 @!p1 s15, s0  }
0xe0: {  	[tilespmem:s5], [sflag:$0x1] =	stream.strided.gather @!p1 [hbm4b:s1+s2], $0x2000, s3, s2, $0x38;
	[tilespmem:$0x11000] =	vst v63  }
0xe1: {  	s1 =	rddreg [dreg:$0x2]  }
0xe2: {  	s0 =	sadd.s32 @!p1 s1, s0;
	s1 =	simm.s32 @!p1 $0x8000  }
0xe3: {  	[tilespmem:s1], [sflag:$0x1] =	stream.linear.gather @!p1 [hbm4b:s0+s4], $0x4000, $0x38;
	[tilespmem:$0x11000] =	vst v63  }
0xe4: {  	_ =	swait.ge [sflag:s23], $0x2000  }
0xe5: {  	[sflag:s23] =	ssyncset.done $0x0  }
0xe6: {  	[sflag:s23] =	ssyncadd.s32 $0xFFFFE000  }
0xe7: {  	_ =	swait.ge [sflag:s23], $0x2000  }
0xe8: {  	[sflag:s23] =	ssyncset.done $0x0  }
0xe9: {  	[sflag:s23] =	ssyncadd.s32 $0xFFFFE000  }
0xea: {  	_ =	swait.ge [sflag:s23], $0x4000  }
0xeb: {  	[sflag:s23] =	ssyncset.done $0x0  }
0xec: {  	s1 =	simm.s32 @!p0 $0x4;
	[sflag:s23] =	ssyncadd.s32 $0xFFFFC000  }
0xed: {  	s6 =	simm.s32 $0x30;
	s5 =	simm.s32 $0x0;
	_ =	swait.ge @!p0 [sflag:s1], $0x800  }
0xee: {  	s10 =	sand.u32 $0x70, s6;
	s9 =	sand.u32 $0x1E00, s5;
	[sflag:s1] =	ssyncset.done @!p0 $0x0  }
0xef: {  	s2 =	sor.u32 s9, s10;
	[sflag:s1] =	ssyncadd.s32 @!p0 $0xFFFFF800  }
0xf0: {  	v2 =	vld [tilespmem:s2+$0x2000]  }
0xf1: {  	s25 =	simm.s32 $0x10;
	s11 =	sand.u32 $0x7, s5;
	v3 =	vld [tilespmem:s2+$0x2080]  }
0xf2: {  	s7 =	sand.u32 $0x50, s25;
	s1 =	sshll.u32 s11, $0x4;
	v4 =	vld [tilespmem:s2+$0x6000]  }
0xf3: {  	s31 =	sor.u32 s9, s7;
	s1 =	sadd.s32 $0x0, s1;
	v5 =	vld [tilespmem:s2+$0x6080]  }
0xf4: {  	v23 =	vld [tilespmem:s31+$0x6000];
	s12 =	sadd.s32 $0x30, s1  }
0xf5: {  	v26 =	vld [tilespmem:s31+$0x6080];
	s13 =	sor.u32 $0x100, s12  }
0xf6: {  	s14 =	sor.u32 $0x180, s12;
	v6 =	vld [tilespmem:s13+$0x2000]  }
0xf7: {  	v7 =	vld [tilespmem:s14+$0x2000]  }
0xf8: {  	s1 =	sadd.s32 $0x10, s1;
	v8 =	vld [tilespmem:s13+$0x6000]  }
0xf9: {  	s3 =	simm.s32 $0x1;
	s15 =	sand.u32 $0x3, s5;
	s16 =	sor.u32 $0x100, s1;
	v9 =	vld [tilespmem:s14+$0x6000]  }
0xfa: {  	s18 =	sshll.u32 s15, $0x5;
	p0 =	por $0x0, $0x0;
	s1 =	sor.u32 $0x180, s1;
	v10 =	vld [tilespmem:s16+$0x2000]  }
0xfb: {  	s2 =	sadd.s32 $0x0, s18;
	s3 =	simm.s32 @!p0 $0x0;
	v11 =	vld [tilespmem:s1+$0x2000]  }
0xfc: {  	s2 =	sadd.s32 $0x20, s2;
	s24 =	sshll.u32 s3, $0x6;
	v12 =	vld [tilespmem:s16+$0x6000]  }
0xfd: {  	s19 =	sor.u32 $0x100, s2;
	s22 =	sor.u32 $0x180, s2;
	s2 =	sadd.s32 $0x0, s24;
	v13 =	vld [tilespmem:s1+$0x6000]  }
0xfe: {  	s28 =	simm.s32 $0x20;
	v14 =	vld [tilespmem:s19+$0x2000];
	s26 =	sor.u32 $0x100, s2;
	s2 =	sor.u32 $0x180, s2  }
0xff: {  	v18 =	vor.u32 s25, v1;
	v20 =	vor.u32 s28, v1;
	s1 =	sand.u32 $0x60, s28;
	v16 =	vld [tilespmem:s2+$0x2000]  }
0x100: {  	v18 =	vand.u32 $0x5F, v18;
	v20 =	vand.u32 $0x6F, v20;
	v30 =	vmov s6;
	v21 =	vld [tilespmem:s2+$0x6000];
	s1 =	sor.u32 s9, s1  }
0x101: {  	v63 =	vor.u32 s6, v1;
	v15 =	vmov s5;
	v19 =	vor.u32 s5, v1;
	v27 =	vld [tilespmem:s1+$0x2000]  }
0x102: {  	v30 =	vshll.u32 v30, $0x3;
	v15 =	vshll.u32 v15, $0x3;
	v19 =	vand.u32 $0x4F, v19;
	s3 =	sand.u32 $0x40, s5;
	v28 =	vld [tilespmem:s1+$0x2080]  }
0x103: {  	v15 =	vand.u32 $0x3C00, v15;
	s16 =	simm.s32 $0x40;
	s2 =	sor.u32 s3, s9;
	v29 =	vld [tilespmem:s1+$0x6000];
	v4 =	vadd.f32 v8, v4;
	v2 =	vadd.f32 v6, v2  }
0x104: {  	v39 =	vmov s16;
	v31 =	vld [tilespmem:s2+$0x2000];
	v5 =	vadd.f32 v9, v5;
	v3 =	vadd.f32 v7, v3  }
0x105: {  	v44 =	vor.u32 s16, v1;
	v6 =	vld [tilespmem:s22+$0x2000];
	v12 =	vadd.f32 v12, v23;
	v13 =	vadd.f32 v13, v26  }
0x106: {  	v7 =	vld [tilespmem:s19+$0x6000];
	v8 =	vmov s25;
	s19 =	simm.s32 $0x60;
	v2 =	vsub.f32 v4, v2;
	v3 =	vsub.f32 v5, v3  }
0x107: {  	v8 =	vshll.u32 v8, $0x3;
	v41 =	vmov s19;
	v4 =	vld [tilespmem:s26+$0x2000];
	v5 =	vmov s28  }
0x108: {  	v5 =	vshll.u32 v5, $0x3;
	v2 =	vmul.f32 v2, v2;
	v3 =	vmul.f32 v3, v3  }
0x109: {  	v45 =	vor.u32 s19, v1;
	v8 =	vand.u32 $0x3C00, v8;
	v22 =	vand.u32 $0x3C00, v5;
	v5 =	vld [tilespmem:s31+$0x2080]  }
0x10a: {  	v14 =	vadd.f32 v14, v27;
	v43 =	vshll.u32 v41, $0x3;
	v2 =	vadd.f32 v3, v2  }
0x10b: {  	v8 =	vor.u32 v8, v18;
	v7 =	vadd.f32 v7, v29;
	v6 =	vadd.f32 v6, v28  }
0x10c: {  	v32 =	vld [tilespmem:s2+$0x2080];
	v4 =	vadd.f32 v4, v31;
	vm0 =	vge.f32 v2, $6.250000000e-02;
	vm1 =	vge.f32 v2, $2.500000000e-01  }
0x10d: {  	s5 =	simm.s32 $0x4;
	v33 =	vld [tilespmem:s2+$0x6000];
	v7 =	vsub.f32 v7, v14;
	v24 =	vsel vm0, $0x1, v0;
	v25 =	vsel vm1, $0x1, v0  }
0x10e: {  	s6 =	sand.u32 $0x7, s5;
	v3 =	vld [tilespmem:s31+$0x2000];
	vm0 =	vge.f32 v2, $5.625000000e-01;
	v11 =	vadd.f32 v11, v5;
	v24 =	vadd.s32 v25, v24  }
0x10f: {  	s0 =	simm.s32 $0x100;
	s15 =	simm.s32 $0x50;
	v34 =	vld [tilespmem:s2+$0x6080];
	s2 =	sshll.u32 s6, $0x4;
	v58 =	vsel vm0, $0x1, v0;
	vm0 =	vge.f32 v2, $1.000000000e+00;
	v25 =	vand.u32 $0x7F, v63  }
0x110: {  	s12 =	simm.s32 $0x2;
	v17 =	vld [tilespmem:s26+$0x6000];
	s9 =	sand.u32 $0x1E00, s0;
	s2 =	sadd.s32 $0x100, s2;
	v24 =	vadd.s32 v58, v24;
	v59 =	vsel vm0, $0x1, v0;
	vm0 =	vge.f32 v2, $1.562500000e+00  }
0x111: {  	s3 =	sand.u32 $0x3, s12;
	s7 =	sadd.s32 $0x30, s2;
	s2 =	sadd.s32 $0x10, s2;
	v9 =	vld [tilespmem:s22+$0x6000];
	v24 =	vadd.s32 v59, v24;
	v60 =	vsel vm0, $0x1, v0;
	vm0 =	vge.f32 v2, $2.250000000e+00  }
0x112: {  	s14 =	sshll.u32 s3, $0x5;
	s3 =	sand.u32 $0x50, s15;
	s13 =	sor.u32 $0x100, s2;
	v24 =	vadd.s32 v60, v24;
	v61 =	vsel vm0, $0x1, v0;
	vm0 =	vge.f32 v2, $3.062500000e+00;
	v2 =	vld [tilespmem:s1+$0x6080]  }
0x113: {  	s8 =	simm.s32 $0x70;
	v40 =	vld [tilespmem:s13+$0x6000];
	s28 =	sor.u32 s9, s3;
	v3 =	vadd.f32 v10, v3;
	v24 =	vadd.s32 v61, v24;
	v62 =	vsel vm0, $0x1, v0  }
0x114: {  	v53 =	vld [tilespmem:s28+$0x6000];
	v10 =	vand.u32 $0x3C00, v30;
	v59 =	vor.u32 s8, v1;
	v24 =	vadd.s32 v62, v24  }
0x115: {  	v3 =	vsub.f32 v12, v3;
	v12 =	vadd.f32 v21, v34;
	v5 =	vshll.u32 v24, $0x7  }
0x116: {  	v21 =	vand.u32 $0x4F, v44;
	v31 =	vand.u32 $0x7F, v59;
	v5 =	vand.u32 $0x380, v5  }
0x117: {  	s2 =	sor.u32 $0x180, s2;
	v2 =	vadd.f32 v9, v2;
	v9 =	vor.u32 v10, v25;
	v10 =	vsub.f32 v13, v11  }
0x118: {  	v42 =	vld [tilespmem:s2+$0x6000];
	v11 =	vadd.f32 v17, v33;
	v5 =	vor.u32 v5, v9;
	v9 =	vadd.f32 v16, v32  }
0x119: {  	v3 =	vmul.f32 v3, v3;
	v24 =	vadd.f32 v40, v53;
	v33 =	vld [tilespmem:s28+$0x6080];
	v2 =	vsub.f32 v2, v6  }
0x11a: {  	v10 =	vmul.f32 v10, v10;
	v4 =	vsub.f32 v11, v4;
	v6 =	vsub.f32 v12, v9  }
0x11b: {  	v9 =	vmul.f32 v7, v7;
	v7 =	vor.u32 v22, v20;
	v20 =	vand.u32 $0x3C00, v43  }
0x11c: {  	v22 =	vand.u32 $0x6F, v45;
	v3 =	vadd.f32 v10, v3;
	v2 =	vmul.f32 v2, v2  }
0x11d: {  	v4 =	vmul.f32 v4, v4;
	v10 =	vmul.f32 v6, v6;
	v6 =	vor.u32 v15, v19  }
0x11e: {  	v26 =	vadd.f32 v42, v33;
	vm0 =	vge.f32 v3, $6.250000000e-02;
	v2 =	vadd.f32 v2, v9  }
0x11f: {  	vm1 =	vge.f32 v3, $2.500000000e-01;
	v4 =	vadd.f32 v10, v4;
	v9 =	vsel vm0, $0x1, v0  }
0x120: {  	v10 =	vsel vm1, $0x1, v0;
	vm0 =	vge.f32 v3, $5.625000000e-01;
	vm1 =	vge.f32 v2, $6.250000000e-02  }
0x121: {  	vm2 =	vge.f32 v2, $2.500000000e-01;
	v9 =	vadd.s32 v10, v9;
	vm3 =	vge.f32 v4, $6.250000000e-02  }
0x122: {  	vm4 =	vge.f32 v4, $2.500000000e-01;
	v11 =	vsel vm1, $0x1, v0;
	v14 =	vsel vm2, $0x1, v0  }
0x123: {  	vm1 =	vge.f32 v4, $5.625000000e-01;
	vm2 =	vge.f32 v2, $5.625000000e-01;
	v12 =	vsel vm3, $0x1, v0  }
0x124: {  	v13 =	vsel vm4, $0x1, v0;
	v11 =	vadd.s32 v14, v11;
	v14 =	vsel vm2, $0x1, v0  }
0x125: {  	vm2 =	vge.f32 v2, $1.000000000e+00;
	v10 =	vadd.s32 v13, v12;
	v12 =	vsel vm0, $0x1, v0  }
0x126: {  	v13 =	vsel vm1, $0x1, v0;
	vm0 =	vge.f32 v3, $1.000000000e+00;
	vm1 =	vge.f32 v4, $1.000000000e+00  }
0x127: {  	s4 =	sand.u32 $0x70, s8;
	s11 =	sor.u32 $0x180, s7;
	v11 =	vadd.s32 v14, v11;
	v15 =	vsel vm2, $0x1, v0;
	vm2 =	vge.f32 v2, $1.562500000e+00  }
0x128: {  	v36 =	vld [tilespmem:s11+$0x6000];
	s1 =	sor.u32 s9, s4;
	v9 =	vadd.s32 v12, v9;
	v10 =	vadd.s32 v13, v10;
	v12 =	vsel vm0, $0x1, v0  }
0x129: {  	s10 =	sor.u32 $0x100, s7;
	v16 =	vld [tilespmem:s1+$0x2080];
	v14 =	vsel vm1, $0x1, v0;
	vm0 =	vge.f32 v3, $1.562500000e+00;
	vm1 =	vge.f32 v4, $1.562500000e+00  }
0x12a: {  	v19 =	vld [tilespmem:s10+$0x2000];
	v11 =	vadd.s32 v15, v11;
	v18 =	vsel vm2, $0x1, v0;
	vm2 =	vge.f32 v2, $2.250000000e+00  }
0x12b: {  	v13 =	vld [tilespmem:s1+$0x2000];
	v9 =	vadd.s32 v12, v9;
	v10 =	vadd.s32 v14, v10;
	v14 =	vsel vm0, $0x1, v0  }
0x12c: {  	v15 =	vld [tilespmem:s1+$0x6080];
	v17 =	vsel vm1, $0x1, v0;
	vm0 =	vge.f32 v3, $2.250000000e+00;
	vm1 =	vge.f32 v4, $2.250000000e+00  }
0x12d: {  	v12 =	vld [tilespmem:s1+$0x6000];
	v11 =	vadd.s32 v18, v11;
	v9 =	vadd.s32 v14, v9;
	v10 =	vadd.s32 v17, v10  }
0x12e: {  	v18 =	vld [tilespmem:s10+$0x6000];
	v17 =	vsel vm0, $0x1, v0;
	v35 =	vsel vm1, $0x1, v0;
	vm0 =	vge.f32 v3, $3.062500000e+00  }
0x12f: {  	v14 =	vld [tilespmem:s11+$0x2000];
	v3 =	vsel vm2, $0x1, v0;
	vm1 =	vge.f32 v4, $3.062500000e+00;
	vm2 =	vge.f32 v2, $3.062500000e+00  }
0x130: {  	v50 =	vld [tilespmem:s28+$0x2080];
	v4 =	vadd.s32 v17, v9;
	v9 =	vadd.s32 v35, v10;
	v10 =	vsel vm0, $0x1, v0  }
0x131: {  	p0 =	por !p0, !p0;
	s4 =	simm.s32 $0x1;
	s1 =	sand.u32 $0x60, s19;
	v2 =	vld [tilespmem:s13+$0x2000];
	v3 =	vadd.s32 v3, v11;
	v17 =	vmov s15;
	v38 =	vsel vm2, $0x1, v0  }
0x132: {  	s4 =	simm.s32 @!p0 $0x0;
	s1 =	sor.u32 s9, s1;
	v11 =	vld [tilespmem:s2+$0x2000];
	v37 =	vsel vm1, $0x1, v0;
	v4 =	vadd.s32 v10, v4;
	v3 =	vadd.s32 v38, v3  }
0x133: {  	s24 =	sshll.u32 s4, $0x6;
	v34 =	vld [tilespmem:s1+$0x2000];
	v9 =	vadd.s32 v37, v9;
	v15 =	vadd.f32 v36, v15;
	v10 =	vadd.f32 v18, v12  }
0x134: {  	s2 =	sadd.s32 $0x100, s24;
	v35 =	vld [tilespmem:s1+$0x2080];
	v17 =	vshll.u32 v17, $0x3;
	v12 =	vadd.f32 v19, v13;
	v14 =	vadd.f32 v14, v16  }
0x135: {  	s26 =	sor.u32 $0x100, s2;
	v37 =	vld [tilespmem:s1+$0x6080];
	v4 =	vshll.u32 v4, $0x7;
	v3 =	vshll.u32 v3, $0x7;
	v17 =	vand.u32 $0x3C00, v17  }
0x136: {  	v46 =	vld [tilespmem:s26+$0x2000];
	v9 =	vshll.u32 v9, $0x7;
	v10 =	vsub.f32 v10, v12;
	v12 =	vsub.f32 v15, v14  }
0x137: {  	s18 =	sadd.s32 $0x100, s14;
	v36 =	vmov s8;
	v18 =	vshll.u32 v39, $0x3;
	v49 =	vand.u32 $0x380, v4;
	v4 =	vld [tilespmem:s28+$0x2000]  }
0x138: {  	s7 =	sadd.s32 $0x20, s18;
	s2 =	sor.u32 $0x180, s2;
	v47 =	vld [tilespmem:s26+$0x6000];
	v36 =	vshll.u32 v36, $0x3;
	v10 =	vmul.f32 v10, v10;
	v12 =	vmul.f32 v12, v12  }
0x139: {  	s22 =	sor.u32 $0x100, s7;
	v48 =	vld [tilespmem:s2+$0x2000];
	v9 =	vand.u32 $0x380, v9;
	v18 =	vand.u32 $0x3C00, v18;
	v36 =	vand.u32 $0x3C00, v36  }
0x13a: {  	s25 =	sor.u32 $0x180, s7;
	v13 =	vld [tilespmem:s22+$0x2000];
	v8 =	vor.u32 v49, v8;
	v15 =	vor.u32 s15, v1;
	v10 =	vadd.f32 v12, v10  }
0x13b: {  	v19 =	vld [tilespmem:s25+$0x2000];
	v31 =	vor.u32 v36, v31;
	v11 =	vadd.f32 v11, v50;
	v15 =	vand.u32 $0x5F, v15  }
0x13c: {  	v16 =	vld [tilespmem:s22+$0x6000];
	v4 =	vadd.f32 v2, v4;
	vm0 =	vge.f32 v10, $6.250000000e-02;
	vm1 =	vge.f32 v10, $2.500000000e-01  }
0x13d: {  	s31 =	sand.u32 $0x40, s16;
	v14 =	vld [tilespmem:s25+$0x6000];
	v51 =	vsel vm0, $0x1, v0;
	v52 =	vsel vm1, $0x1, v0;
	vm0 =	vge.f32 v10, $5.625000000e-01  }
0x13e: {  	v12 =	vld [tilespmem:s2+$0x6000];
	s2 =	sor.u32 s31, s9;
	v30 =	vadd.s32 v52, v51;
	v54 =	vsel vm0, $0x1, v0;
	vm0 =	vge.f32 v10, $1.000000000e+00  }
0x13f: {  	v38 =	vld [tilespmem:s2+$0x2000];
	v30 =	vadd.s32 v54, v30;
	v55 =	vsel vm0, $0x1, v0;
	vm0 =	vge.f32 v10, $1.562500000e+00  }
0x140: {  	v61 =	vld [tilespmem:s2+$0x6000];
	v30 =	vadd.s32 v55, v30;
	v56 =	vsel vm0, $0x1, v0;
	vm0 =	vge.f32 v10, $2.250000000e+00  }
0x141: {  	v62 =	vld [tilespmem:s2+$0x6080];
	v30 =	vadd.s32 v56, v30;
	v57 =	vsel vm0, $0x1, v0;
	vm0 =	vge.f32 v10, $3.062500000e+00  }
0x142: {  	v10 =	vand.u32 $0x380, v3;
	v3 =	vld [tilespmem:s1+$0x6000];
	v30 =	vadd.s32 v57, v30;
	v58 =	vsel vm0, $0x1, v0  }
0x143: {  	v11 =	vsub.f32 v26, v11;
	v13 =	vadd.f32 v13, v34;
	v60 =	vld [tilespmem:s2+$0x2080];
	v30 =	vadd.s32 v58, v30  }
0x144: {  	v2 =	vor.u32 v20, v22;
	v63 =	vsub.f32 v24, v4;
	v30 =	vshll.u32 v30, $0x7  }
0x145: {  	v4 =	vor.u32 v18, v21;
	v14 =	vadd.f32 v14, v37;
	v30 =	vand.u32 $0x380, v30  }
0x146: {  	v18 =	vadd.f32 v47, v61;
	v12 =	vadd.f32 v12, v62;
	v30 =	vor.u32 v30, v31  }
0x147: {  	v16 =	vadd.f32 v16, v3;
	v3 =	vor.u32 v17, v15;
	v17 =	vadd.f32 v19, v35  }
0x148: {  	v11 =	vmul.f32 v11, v11;
	v15 =	vadd.f32 v46, v38;
	v19 =	vadd.f32 v48, v60  }
0x149: {  	v13 =	vsub.f32 v16, v13;
	v16 =	vmul.f32 v63, v63;
	v14 =	vsub.f32 v14, v17  }
0x14a: {  	v10 =	vor.u32 v10, v7;
	v15 =	vsub.f32 v18, v15;
	v12 =	vsub.f32 v12, v19  }
0x14b: {  	v17 =	vld.idx.msk [tilespmem:v5+s20+$0x0], $0xffff;
	v13 =	vmul.f32 v13, v13;
	v5 =	vadd.f32 v11, v16;
	v7 =	vmul.f32 v14, v14  }
0x14c: {  	v18 =	vor.u32 v9, v6;
	v11 =	vmul.f32 v15, v15;
	v12 =	vmul.f32 v12, v12;
	v14 =	vld.idx.msk [tilespmem:v30+s20+$0x0], $0xffff  }
0x14d: {  	vm0 =	vge.f32 v5, $6.250000000e-02;
	vm1 =	vge.f32 v5, $2.500000000e-01;
	v6 =	vadd.f32 v7, v13  }
0x14e: {  	v9 =	vld.idx.msk [tilespmem:v8+s20+$0x0], $0xffff;
	v7 =	vadd.f32 v12, v11;
	v11 =	vsel vm0, $0x1, v0;
	v12 =	vsel vm1, $0x1, v0  }
0x14f: {  	s8 =	simm.s32 $0x0;
	vm0 =	vge.f32 v5, $5.625000000e-01;
	vm1 =	vge.f32 v6, $6.250000000e-02;
	vm2 =	vge.f32 v6, $2.500000000e-01  }
0x150: {  	s13 =	simm.s32 $0x40;
	v8 =	vld.idx.msk [tilespmem:v10+s20+$0x0], $0xffff;
	[tilespmem:s8+$0x10830] =	vst v17;
	vm3 =	vge.f32 v7, $6.250000000e-02;
	vm15 =	vge.f32 v7, $2.500000000e-01;
	v13 =	vsel vm1, $0x1, v0  }
0x151: {  	p0 =	por !p0, !p0;
	s10 =	simm.s32 $0x4;
	s9 =	simm.s32 $0x4;
	v10 =	vld.idx.msk [tilespmem:v18+s20+$0x0], $0xffff;
	v16 =	vsel vm15, $0x1, v0;
	v15 =	vsel vm2, $0x1, v0;
	[tilespmem:s13+$0x10830] =	vst v14;
	v14 =	vsel vm3, $0x1, v0  }
.LBB2_5:
0x152: {  	s2 =	simm.s32 $0x1  }
0x153: {  	s1 =	sand.u32 $0x3, s10;
	vm1 =	vge.f32 v7, $5.625000000e-01;
	v11 =	vadd.s32 v12, v11;
	vm2 =	vge.f32 v6, $5.625000000e-01;
	[tilespmem:s8+$0x10810] =	vst v9;
	s2 =	simm.s32 @!p0 $0x0  }
0x154: {  	v9 =	vadd.s32 v16, v14;
	v12 =	vsel vm0, $0x1, v0;
	v13 =	vadd.s32 v15, v13;
	s16 =	sadd.s32 $0x40, s16;
	s1 =	sshll.u32 s1, $0x5;
	s2 =	sshll.u32 s2, $0x6  }
0x155: {  	vm0 =	vge.f32 v5, $1.000000000e+00;
	s0 =	sadd.s32 $0x100, s0;
	s28 =	sadd.s32 $0x10, s16;
	s25 =	sadd.s32 $0x30, s16;
	v14 =	vsel vm1, $0x1, v0;
	v15 =	vsel vm2, $0x1, v0  }
0x156: {  	s5 =	sadd.s32 $0x4, s5;
	s18 =	sand.u32 $0x1E00, s0;
	vm1 =	vge.f32 v7, $1.000000000e+00;
	v11 =	vadd.s32 v12, v11;
	vm2 =	vge.f32 v6, $1.000000000e+00;
	s3 =	sand.u32 $0x70, s25;
	[tilespmem:s8+$0x10820] =	vst v8  }
0x157: {  	s4 =	sand.u32 $0x7, s5;
	s1 =	sadd.s32 s0, s1;
	v12 =	vadd.s32 v15, v13;
	s3 =	sor.u32 s18, s3;
	v8 =	vadd.s32 v14, v9;
	v9 =	vsel vm0, $0x1, v0  }
0x158: {  	s19 =	sadd.s32 $0x20, s16;
	s4 =	sshll.u32 s4, $0x4;
	v15 =	vsel vm2, $0x1, v0;
	s1 =	sadd.s32 $0x20, s1;
	v14 =	vsel vm1, $0x1, v0;
	vm0 =	vge.f32 v5, $1.562500000e+00;
	v13 =	vld [tilespmem:s3+$0x2000];
	[tilespmem:s8+$0x10800] =	vst v10  }
0x159: {  	s7 =	sand.u32 $0x50, s28;
	vm2 =	vge.f32 v6, $1.562500000e+00;
	s2 =	sadd.s32 s2, s0;
	s4 =	sadd.s32 s4, s0;
	vm1 =	vge.f32 v7, $1.562500000e+00;
	v9 =	vadd.s32 v9, v11;
	v10 =	vld [tilespmem:s3+$0x2080]  }
0x15a: {  	s9 =	sadd.s32 $0x4, s9;
	v12 =	vadd.s32 v15, v12;
	v8 =	vadd.s32 v14, v8;
	v14 =	vsel vm0, $0x1, v0;
	s8 =	sadd.s32 $0x10, s4;
	s4 =	sadd.s32 $0x30, s4;
	v11 =	vld [tilespmem:s3+$0x6000]  }
0x15b: {  	p1 =	slt.u32 s9, $0x7C;
	s11 =	sand.u32 $0x60, s19;
	v17 =	vsel vm2, $0x1, v0;
	v16 =	vsel vm1, $0x1, v0;
	vm0 =	vge.f32 v5, $2.250000000e+00;
	s12 =	sor.u32 $0x100, s4;
	v15 =	vld [tilespmem:s3+$0x6080]  }
0x15c: {  	vm2 =	vge.f32 v6, $2.250000000e+00;
	vm1 =	vge.f32 v7, $2.250000000e+00;
	v9 =	vadd.s32 v14, v9;
	s14 =	sor.u32 $0x100, s8;
	s4 =	sor.u32 $0x180, s4;
	s3 =	sand.u32 $0x40, s16;
	v18 =	vld [tilespmem:s12+$0x2000]  }
0x15d: {  	s15 =	sor.u32 $0x100, s1;
	s6 =	sor.u32 $0x180, s1;
	v12 =	vadd.s32 v17, v12;
	v8 =	vadd.s32 v16, v8;
	v16 =	vsel vm0, $0x1, v0;
	s31 =	sor.u32 $0x180, s8;
	v14 =	vld [tilespmem:s4+$0x2000]  }
0x15e: {  	s22 =	sor.u32 s18, s7;
	s1 =	sor.u32 $0x100, s2;
	s24 =	sor.u32 $0x180, s2;
	v19 =	vsel vm1, $0x1, v0;
	vm0 =	vge.f32 v5, $3.062500000e+00;
	v5 =	vsel vm2, $0x1, v0;
	v17 =	vld [tilespmem:s12+$0x6000]  }
0x15f: {  	vm1 =	vge.f32 v7, $3.062500000e+00;
	vm2 =	vge.f32 v6, $3.062500000e+00;
	v7 =	vadd.s32 v16, v9;
	s8 =	smov.u32 s13;
	s26 =	sor.u32 s3, s18;
	s18 =	sor.u32 s18, s11;
	v20 =	vld [tilespmem:s4+$0x6000]  }
0x160: {  	v8 =	vadd.s32 v19, v8;
	v9 =	vsel vm0, $0x1, v0;
	v5 =	vadd.s32 v5, v12;
	v6 =	vld [tilespmem:s14+$0x2000]  }
0x161: {  	v16 =	vmov s28;
	v19 =	vsel vm1, $0x1, v0;
	v21 =	vsel vm2, $0x1, v0;
	v12 =	vld [tilespmem:s31+$0x2000]  }
0x162: {  	v22 =	vmov s16;
	v24 =	vmov s19;
	v7 =	vadd.s32 v9, v7;
	v23 =	vld [tilespmem:s14+$0x6000]  }
0x163: {  	v5 =	vadd.s32 v21, v5;
	v13 =	vadd.f32 v18, v13;
	v9 =	vld [tilespmem:s31+$0x6000];
	v11 =	vadd.f32 v17, v11  }
0x164: {  	v8 =	vadd.s32 v19, v8;
	v10 =	vadd.f32 v14, v10;
	v17 =	vld [tilespmem:s15+$0x2000];
	v15 =	vadd.f32 v20, v15  }
0x165: {  	v16 =	vshll.u32 v16, $0x3;
	v19 =	vshll.u32 v24, $0x3;
	v14 =	vshll.u32 v22, $0x3;
	v18 =	vld [tilespmem:s6+$0x2000]  }
0x166: {  	v20 =	vor.u32 s28, v1;
	v11 =	vsub.f32 v11, v13;
	v21 =	vld [tilespmem:s15+$0x6000];
	v10 =	vsub.f32 v15, v10  }
0x167: {  	v7 =	vshll.u32 v7, $0x7;
	v22 =	vor.u32 s19, v1;
	v13 =	vor.u32 s16, v1;
	v15 =	vld [tilespmem:s6+$0x6000]  }
0x168: {  	v5 =	vshll.u32 v5, $0x7;
	v11 =	vmul.f32 v11, v11;
	v24 =	vld [tilespmem:s1+$0x2000];
	v10 =	vmul.f32 v10, v10  }
0x169: {  	v16 =	vand.u32 $0x3C00, v16;
	v19 =	vand.u32 $0x3C00, v19;
	v8 =	vshll.u32 v8, $0x7;
	v25 =	vld [tilespmem:s24+$0x2000]  }
0x16a: {  	v14 =	vand.u32 $0x3C00, v14;
	v20 =	vand.u32 $0x5F, v20;
	v26 =	vld [tilespmem:s1+$0x6000];
	v10 =	vadd.f32 v10, v11  }
0x16b: {  	v7 =	vand.u32 $0x380, v7;
	v22 =	vand.u32 $0x6F, v22;
	v13 =	vand.u32 $0x4F, v13;
	v11 =	vld [tilespmem:s24+$0x6000]  }
0x16c: {  	v5 =	vand.u32 $0x380, v5;
	v27 =	vld [tilespmem:s22+$0x2000];
	vm0 =	vge.f32 v10, $6.250000000e-02;
	vm1 =	vge.f32 v10, $2.500000000e-01  }
0x16d: {  	v28 =	vld [tilespmem:s22+$0x2080];
	v29 =	vsel vm0, $0x1, v0;
	v30 =	vsel vm1, $0x1, v0;
	vm0 =	vge.f32 v10, $5.625000000e-01  }
0x16e: {  	v31 =	vld [tilespmem:s22+$0x6000];
	v29 =	vadd.s32 v30, v29;
	v30 =	vsel vm0, $0x1, v0;
	vm0 =	vge.f32 v10, $1.000000000e+00  }
0x16f: {  	v32 =	vld [tilespmem:s22+$0x6080];
	v29 =	vadd.s32 v30, v29;
	v30 =	vsel vm0, $0x1, v0;
	vm0 =	vge.f32 v10, $1.562500000e+00  }
0x170: {  	v33 =	vld [tilespmem:s18+$0x2000];
	v29 =	vadd.s32 v30, v29;
	v30 =	vsel vm0, $0x1, v0;
	vm0 =	vge.f32 v10, $2.250000000e+00  }
0x171: {  	v34 =	vld [tilespmem:s18+$0x2080];
	v29 =	vadd.s32 v30, v29;
	v30 =	vsel vm0, $0x1, v0;
	vm0 =	vge.f32 v10, $3.062500000e+00  }
0x172: {  	v35 =	vmov s25;
	v10 =	vld [tilespmem:s18+$0x6000];
	v29 =	vadd.s32 v30, v29;
	v30 =	vsel vm0, $0x1, v0  }
0x173: {  	v35 =	vshll.u32 v35, $0x3;
	v36 =	vld [tilespmem:s18+$0x6080];
	v29 =	vadd.s32 v30, v29;
	v30 =	vor.u32 s25, v1  }
0x174: {  	v35 =	vand.u32 $0x3C00, v35;
	v37 =	vld [tilespmem:s26+$0x2000];
	v30 =	vand.u32 $0x7F, v30;
	v29 =	vshll.u32 v29, $0x7  }
0x175: {  	v23 =	vadd.f32 v23, v31;
	v38 =	vld [tilespmem:s26+$0x2080];
	v29 =	vand.u32 $0x380, v29;
	v30 =	vor.u32 v35, v30  }
0x176: {  	v6 =	vadd.f32 v6, v27;
	v9 =	vadd.f32 v9, v32;
	v31 =	vld [tilespmem:s26+$0x6000];
	v27 =	vor.u32 v29, v30  }
0x177: {  	v8 =	vand.u32 $0x380, v8;
	v12 =	vadd.f32 v12, v28;
	v29 =	vld [tilespmem:s26+$0x6080];
	v10 =	vadd.f32 v21, v10  }
0x178: {  	v16 =	vor.u32 v16, v20;
	v17 =	vadd.f32 v17, v33;
	v15 =	vadd.f32 v15, v36  }
0x179: {  	v19 =	vor.u32 v19, v22;
	v18 =	vadd.f32 v18, v34;
	v20 =	vadd.f32 v24, v37  }
0x17a: {  	v13 =	vor.u32 v14, v13;
	v6 =	vsub.f32 v23, v6;
	v21 =	vadd.f32 v25, v38  }
0x17b: {  	v7 =	vor.u32 v7, v3;
	v9 =	vsub.f32 v9, v12;
	v14 =	vadd.f32 v26, v31;
	v12 =	vld.idx.msk [tilespmem:v27+s20+$0x0], $0xffff  }
0x17c: {  	v3 =	vmovc v16;
	v6 =	vmul.f32 v6, v6;
	v10 =	vsub.f32 v10, v17;
	v11 =	vadd.f32 v11, v29  }
0x17d: {  	v9 =	vmul.f32 v9, v9;
	v15 =	vsub.f32 v15, v18;
	v14 =	vsub.f32 v14, v20  }
0x17e: {  	v16 =	vor.u32 v5, v2;
	v2 =	vmovc v19;
	v10 =	vmul.f32 v10, v10;
	v11 =	vsub.f32 v11, v21  }
0x17f: {  	v5 =	vadd.f32 v9, v6;
	v6 =	vmul.f32 v15, v15;
	v14 =	vmul.f32 v14, v14  }
0x180: {  	s13 =	sshra.s32 s0, $0x2;
	v17 =	vor.u32 v8, v4;
	v4 =	vmov v13;
	v11 =	vmul.f32 v11, v11;
	v9 =	vld.idx.msk [tilespmem:v7+s20+$0x0], $0xffff  }
.Ltmp1:
0x181: {  	vm0 =	vge.f32 v5, $6.250000000e-02;
	vm1 =	vge.f32 v5, $2.500000000e-01;
	v6 =	vadd.f32 v6, v10;
	[tilespmem:s13+$0x10830] =	vst v12;
	(pc) =	sbr.rel @p1 .LBB2_5-.Ltmp1, $4  }
0x182: {  	v12 =	vsel vm1, $0x1, v0;
	v7 =	vadd.f32 v11, v14;
	v11 =	vsel vm0, $0x1, v0  }
0x183: {  	vm2 =	vge.f32 v6, $2.500000000e-01;
	vm1 =	vge.f32 v6, $6.250000000e-02;
	vm0 =	vge.f32 v5, $5.625000000e-01;
	v8 =	vld.idx.msk [tilespmem:v16+s20+$0x0], $0xffff  }
0x184: {  	v13 =	vsel vm1, $0x1, v0;
	vm3 =	vge.f32 v7, $6.250000000e-02;
	vm4 =	vge.f32 v7, $2.500000000e-01  }
0x185: {  	s10 =	sadd.s32 $0x2, s10;
	p0 =	por !p0, !p0;
	v15 =	vsel vm2, $0x1, v0;
	v14 =	vsel vm3, $0x1, v0;
	v16 =	vsel vm4, $0x1, v0;
	v10 =	vld.idx.msk [tilespmem:v17+s20+$0x0], $0xffff  }
0x186: {  	vm1 =	vge.f32 v7, $5.625000000e-01;
	v11 =	vadd.s32 v12, v11  }
0x187: {  	vm2 =	vge.f32 v6, $5.625000000e-01;
	v46 =	vadd.s32 v16, v14;
	v47 =	vsel vm0, $0x1, v0  }
0x188: {  	v13 =	vadd.s32 v15, v13;
	vm4 =	vge.f32 v5, $1.000000000e+00;
	vm5 =	vge.f32 v7, $1.000000000e+00  }
0x189: {  	vm6 =	vge.f32 v6, $1.000000000e+00;
	vm7 =	vge.f32 v5, $1.562500000e+00;
	vm8 =	vge.f32 v7, $1.562500000e+00  }
0x18a: {  	vm9 =	vge.f32 v6, $1.562500000e+00;
	vm10 =	vge.f32 v5, $2.250000000e+00;
	vm11 =	vge.f32 v7, $2.250000000e+00  }
0x18b: {  	vm12 =	vge.f32 v6, $2.250000000e+00;
	vm13 =	vge.f32 v5, $3.062500000e+00;
	vm14 =	vge.f32 v7, $3.062500000e+00  }
0x18c: {  	vm15 =	vge.f32 v6, $3.062500000e+00;
	v48 =	vsel vm1, $0x1, v0;
	v49 =	vsel vm2, $0x1, v0  }
0x18d: {  	v11 =	vadd.s32 v47, v11;
	v50 =	vsel vm4, $0x1, v0;
	v51 =	vsel vm5, $0x1, v0  }
0x18e: {  	v52 =	vsel vm6, $0x1, v0;
	v53 =	vsel vm7, $0x1, v0;
	v54 =	vsel vm8, $0x1, v0  }
0x18f: {  	v55 =	vsel vm9, $0x1, v0;
	v56 =	vsel vm10, $0x1, v0;
	v57 =	vsel vm11, $0x1, v0  }
0x190: {  	v58 =	vsel vm12, $0x1, v0;
	v61 =	vsel vm13, $0x1, v0;
	v62 =	vsel vm15, $0x1, v0  }
0x191: {  	v63 =	vsel vm14, $0x1, v0;
	v13 =	vadd.s32 v49, v13;
	v11 =	vadd.s32 v50, v11  }
0x192: {  	v12 =	vadd.s32 v48, v46;
	v13 =	vadd.s32 v52, v13;
	v11 =	vadd.s32 v53, v11  }
0x193: {  	v12 =	vadd.s32 v51, v12;
	v13 =	vadd.s32 v55, v13;
	v59 =	vadd.s32 v56, v11  }
0x194: {  	v12 =	vadd.s32 v54, v12;
	v5 =	vadd.s32 v58, v13;
	v7 =	vadd.s32 v61, v59  }
0x195: {  	v60 =	vadd.s32 v57, v12;
	v5 =	vadd.s32 v62, v5;
	v7 =	vshll.u32 v7, $0x7  }
0x196: {  	v6 =	vadd.s32 v63, v60;
	v5 =	vshll.u32 v5, $0x7;
	v7 =	vand.u32 $0x380, v7  }
0x197: {  	v6 =	vshll.u32 v6, $0x7;
	v5 =	vand.u32 $0x380, v5;
	v3 =	vor.u32 v7, v3  }
0x198: {  	v6 =	vand.u32 $0x380, v6;
	v2 =	vor.u32 v5, v2  }
0x199: {  	v4 =	vor.u32 v6, v4;
	_ =	sdelay $0x2  }
0x19a: {  	v3 =	vld.idx.msk [tilespmem:v3+s20+$0x0], $0xffff  }
0x19b: {  	v2 =	vld.idx.msk [tilespmem:v2+s20+$0x0], $0xffff  }
0x19c: {  	[tilespmem:s8+$0x10810] =	vst v9;
	s29 =	sadd.s32 $0x1, s29;
	v4 =	vld.idx.msk [tilespmem:v4+s20+$0x0], $0xffff  }
0x19d: {  	p0 =	sne.s32 s29, $0x10;
	[tilespmem:s8+$0x10820] =	vst v8  }
.Ltmp2:
0x19e: {  	[tilespmem:s8+$0x10800] =	vst v10;
	(pc) =	sbr.rel @p0 .LBB2_2-.Ltmp2, $4  }
0x19f: {  	s1 =	rddreg [dreg:$0x3];
	[tilespmem:s13+$0x10810] =	vst v3  }
0x1a0: {  	s0 =	sshrl.u32 s30, $0x3;
	s4 =	simm.s32 $0x0;
	s6 =	rddreg [dreg:$0x0];
	[tilespmem:s13+$0x10820] =	vst v2  }
0x1a1: {  	s31 =	simm.s32 $0x10800;
	s15 =	rddreg [dreg:$0x1];
	s0 =	sadd.s32 s1, s0;
	[tilespmem:s13+$0x10800] =	vst v4  }
0x1a2: {  	[hbm4b:s0+s4] =	stream.linear.scatter [tilespmem:s31], [sflag:$0x4], $0x800, $0x38;
	[tilespmem:$0x11000] =	vst v63  }
0x1a3: {  	s0 =	simm.s32 $0x3  }
0x1a4: {  	_ =	swait.ge [sflag:s0], $0x800  }
0x1a5: {  	[sflag:s0] =	ssyncset.done $0x0  }
0x1a6: {  	s1 =	simm.s32 $0x4;
	[sflag:s0] =	ssyncadd.s32 $0xFFFFF800  }
0x1a7: {  	_ =	swait.ge [sflag:s1], $0x800  }
0x1a8: {  	s2 =	rddreg [dreg:$0xc]  }
0x1a9: {  	s31 =	rddreg [dreg:$0xb];
	s2 =	sadd.s32 $0x1, s2  }
0x1aa: {  	p0 =	sne.s32 s2, s31  }
.Ltmp3:
0x1ab: {  	_ = 	snop;
	(pc) =	sbr.rel @p0 .LBB2_1-.Ltmp3, $3  }
0x1ac: {  	_ =	sdelay $0x1  }
0x1ad: {  	[sflag:s1] =	ssyncset.done $0x0  }
0x1ae: {  	[sflag:s1] =	ssyncadd.s32 $0xFFFFF800  }
0x1af: {  	_ =	sfence.sel $0x180000  }
0x1b0: {  	[bflag:$0x0] =	sbarrier.arrive $0xFFFF  }
0x1b1: {  	_ =	strace $0x90000047  }
0x1b2: {  	s0 =	stileid.u32;
	[bflag:$0x2] =	sbarrier.arrive $0xFFFF  }
0x1b3: {  	p0 =	sne.s32 s0, $0x0;
	s0 =	rddreg [dreg:$0x4]  }
0x1b4: {  	s0 =	sadd.s32 @!p0 $0x100000, s0  }
0x1b5: {  	[sflag:s0] =	ssyncadd.tile.s32 @!p0 $0x1;
	_ =	shalt  }
.Lfunc_end2:
_tile_overlayer_lowered:
.L_overlay_start_2:
0x1b6: {  	(tag) =	ssettag $0x2  }
0x1b7: {  	s0 =	rddreg [dreg:$0x0];
	s2 =	stileid.u32  }
0x1b8: {  	s1 =	rddreg [dreg:$0x1];
	p0 =	sne.s32 s2, $0x0  }
0x1b9: {  	s3 =	rddreg [dreg:$0x2];
	[bflag:$0x3] =	sbarrier.arrive $0xFFFF;
	s2 =	simm.s32 @!p0 $0x1C05  }
0x1ba: {  	[timem:s3], [sflag:s2] =	dma.local @!p0 [hbm:s0], s1  }
0x1bb: {  	s0 =	simm.s32 @!p0 $0x5  }
0x1bc: {  	_ =	swait.ge @!p0 [sflag:s0], s1  }
0x1bd: {  	s1 =	ssub.s32 @!p0 $0x0, s1;
	[sflag:s0] =	ssyncset.done @!p0 $0x0  }
0x1be: {  	[sflag:s0] =	ssyncadd.s32 @!p0 s1  }
0x1bf: {  	[bflag:$0x3] =	sbarrier.arrive $0xFFFF  }
0x1c0: {  	_ =	shalt  }

</sc_bundles>
